<compile_context>
chip_gen: v7x
topology: tpu7x:2x2x1
jax: 0.10.2.dev20260603
libtpu: 0.0.44.dev20260713+nightly
codegen_flags: <defaults>
</compile_context>

<pallas_src>
import functools

import jax
import jax.numpy as jnp
from jax import lax
from jax.experimental import pallas as pl
from jax.experimental.pallas import tpu as pltpu
from jax.experimental.pallas import tpu_sc as plsc

H = 768
NJ = H // 16
NW = 32
NTOK = 64 * 512
TPW = NTOK // NW
GK = 8
NG = TPW // GK
F32 = jnp.float32
I32 = jnp.int32


def _mesh():
    return plsc.VectorSubcoreMesh(core_axis_name="c", subcore_axis_name="s")


@functools.partial(
    pl.kernel,
    out_type=jax.ShapeDtypeStruct((NTOK, H), F32),
    mesh=_mesh(),
    scratch_types=[
        pltpu.VMEM((GK, H), F32), pltpu.VMEM((GK, H), F32),
        pltpu.VMEM((2 * GK, H), F32), pltpu.VMEM((2 * GK, H), F32),
        pltpu.VMEM((2 * GK, H), F32), pltpu.VMEM((2 * GK, H), F32),
        pltpu.VMEM((2 * GK, H), F32), pltpu.VMEM((2 * GK, H), F32),
        pltpu.VMEM((GK, H), F32), pltpu.VMEM((GK, H), F32),
        pltpu.VMEM((GK, H), F32), pltpu.VMEM((GK, H), F32),
        pltpu.VMEM((TPW,), I32),
        pltpu.VMEM((4 * TPW,), I32),
        pltpu.VMEM((TPW,), I32),
        pltpu.VMEM((16,), I32), pltpu.VMEM((16,), I32),
        pltpu.VMEM((16,), I32), pltpu.VMEM((16,), I32),
        pltpu.VMEM((16,), I32), pltpu.VMEM((16,), I32),
        pltpu.VMEM((2, H), F32),
        pltpu.VMEM((H,), F32),
        pltpu.VMEM((H,), F32),
        pltpu.VMEM((H,), F32),
        pltpu.SemaphoreType.DMA, pltpu.SemaphoreType.DMA,
        pltpu.SemaphoreType.DMA, pltpu.SemaphoreType.DMA,
    ],
    compiler_params=pltpu.CompilerParams(needs_layout_passes=False),
)
def _emb_ln(word_hbm, x_hbm, y_hbm, hw_hbm, tt_hbm, pos_hbm,
            ids_hbm, bb_hbm, ttid_hbm, gamma_hbm, beta_hbm, out_hbm,
            rw0, rw1, rx0, rx1, ry0, ry1, rhw0, rhw1, pb0, pb1, ac0, ac1,
            idsv, bbv, ttv, xi0, xi1, yi0, yi1, hi0, hi1,
            ttr, dlt, gv, bv, sg0, sg1, so0, so1):
    wid = lax.axis_index("s") * 2 + lax.axis_index("c")
    base = pl.multiple_of(wid * TPW, TPW)

    pltpu.sync_copy(ids_hbm.at[pl.ds(base, TPW)], idsv)
    pltpu.sync_copy(bb_hbm.at[pl.ds(pl.multiple_of(base * 4, 4 * TPW), 4 * TPW)], bbv)
    pltpu.sync_copy(ttid_hbm.at[pl.ds(base, TPW)], ttv)
    pltpu.sync_copy(tt_hbm, ttr)
    pltpu.sync_copy(gamma_hbm, gv)
    pltpu.sync_copy(beta_hbm, bv)

    def _dlt(j, c):
        sl = pl.ds(j * 16, 16)
        dlt[sl] = ttr[1, sl] - ttr[0, sl]
        return c
    lax.fori_loop(0, NJ, _dlt, 0)

    io = lax.iota(I32, 16)
    i8 = jnp.bitwise_and(io, 7)
    lo = io < 8

    def fire(g, rw, rx, ry, rhw, pb, xi, yi, hi, sg):
        g8 = pl.multiple_of(g * GK, GK)
        tb = (g8 + i8) * 4
        xi[...] = plsc.load_gather(bbv, [tb + jnp.where(lo, 0, 2)])
        yi[...] = plsc.load_gather(bbv, [tb + jnp.where(lo, 1, 3)])
        bhi = plsc.load_gather(bbv, [tb + jnp.where(lo, 3, 2)])
        blo = plsc.load_gather(bbv, [tb + jnp.where(lo, 1, 0)])
        hi[...] = bhi - blo + jnp.where(lo, 0, 1024)
        pltpu.async_copy(word_hbm.at[idsv.at[pl.ds(g8, GK)]], rw, sg)
        pltpu.async_copy(x_hbm.at[xi], rx, sg)
        pltpu.async_copy(y_hbm.at[yi], ry, sg)
        pltpu.async_copy(hw_hbm.at[hi], rhw, sg)
        s0 = pl.multiple_of(jnp.bitwise_and(g8, 511), GK)
        pltpu.async_copy(pos_hbm.at[pl.ds(s0, GK)], pb, sg)

    def wait_gathers(rw, rx, ry, rhw, pb, sg):
        pltpu.make_async_copy(word_hbm.at[pl.ds(0, GK)], rw, sg).wait()
        pltpu.make_async_copy(x_hbm.at[pl.ds(0, 2 * GK)], rx, sg).wait()
        pltpu.make_async_copy(y_hbm.at[pl.ds(0, 2 * GK)], ry, sg).wait()
        pltpu.make_async_copy(hw_hbm.at[pl.ds(0, 2 * GK)], rhw, sg).wait()
        pltpu.make_async_copy(pos_hbm.at[pl.ds(0, GK)], pb, sg).wait()

    def wait_out(ac, so):
        pltpu.make_async_copy(ac, out_hbm.at[pl.ds(base, GK)], so).wait()

    def compute(g, rw, rx, ry, rhw, pb, ac):
        g8 = g * GK

        def tbody(t, ct):
            ttf = plsc.load_gather(ttv, [jnp.full((16,), g8 + t, I32)]
                                   ).astype(F32)
            z = jnp.zeros((16,), F32)

            @plsc.parallel_loop(0, NJ, 1, unroll=8, carry=(z, z))
            def sbody(j, carry):
                sv, qv = carry
                sl = pl.ds(j * 16, 16)
                s = pb[t, sl] + ttr[0, sl] + ttf * dlt[sl]
                s = s + rw[t, sl]
                s = s + rx[t, sl] + rx[t + GK, sl]
                s = s + ry[t, sl] + ry[t + GK, sl]
                s = s + rhw[t, sl] + rhw[t + GK, sl]
                ac[t, sl] = s
                return sv + s, qv + s * s

            sv, qv = sbody
            mv = lax.broadcast_in_dim(jnp.sum(sv), (16,), ()) * (1.0 / H)
            q2 = lax.broadcast_in_dim(jnp.sum(qv), (16,), ()) * (1.0 / H)
            var = q2 - mv * mv + 1e-5
            iv = plsc.bitcast(var, I32)
            yv = plsc.bitcast(jnp.int32(0x5F3759DF) - (iv >> 1), F32)
            for _ in range(3):
                yv = yv * (1.5 - 0.5 * var * yv * yv)
            bc = -mv * yv

            @plsc.parallel_loop(0, NJ, 1, unroll=8)
            def nbody(j):
                sl = pl.ds(j * 16, 16)
                ac[t, sl] = (ac[t, sl] * yv + bc) * gv[sl] + bv[sl]
            return ct
        lax.fori_loop(0, GK, tbody, 0)

    def fire_out(g, ac, so):
        off = pl.multiple_of(base + g * GK, GK)
        pltpu.async_copy(ac, out_hbm.at[pl.ds(off, GK)], so)

    fire(0, rw0, rx0, ry0, rhw0, pb0, xi0, yi0, hi0, sg0)

    def ibody(i, c):
        g0 = 2 * i
        g1 = g0 + 1
        fire(g1, rw1, rx1, ry1, rhw1, pb1, xi1, yi1, hi1, sg1)
        wait_gathers(rw0, rx0, ry0, rhw0, pb0, sg0)

        @pl.when(i > 0)
        def _():
            wait_out(ac0, so0)
        compute(g0, rw0, rx0, ry0, rhw0, pb0, ac0)
        fire_out(g0, ac0, so0)

        @pl.when(i < NG // 2 - 1)
        def _():
            fire(g0 + 2, rw0, rx0, ry0, rhw0, pb0, xi0, yi0, hi0, sg0)
        wait_gathers(rw1, rx1, ry1, rhw1, pb1, sg1)

        @pl.when(i > 0)
        def _():
            wait_out(ac1, so1)
        compute(g1, rw1, rx1, ry1, rhw1, pb1, ac1)
        fire_out(g1, ac1, so1)
        return c
    lax.fori_loop(0, NG // 2, ibody, 0)
    wait_out(ac0, so0)
    wait_out(ac1, so1)


def kernel(input_ids, bbox, token_type_ids, word_emb, x_pos_emb, y_pos_emb,
           h_pos_emb, w_pos_emb, token_type_emb, pos_emb, ln_gamma, ln_beta):
    b, s = input_ids.shape
    ids = input_ids.reshape(-1).astype(I32)
    bb = bbox.reshape(-1).astype(I32)
    tt = token_type_ids.reshape(-1).astype(I32)
    hw = jnp.concatenate([h_pos_emb, w_pos_emb], axis=0)
    out = _emb_ln(word_emb, x_pos_emb, y_pos_emb, hw, token_type_emb,
                  pos_emb[:512], ids, bb, tt, ln_gamma, ln_beta)
    return out.reshape(b, s, H)

# --- scband reference (transcript-rebuilt; emitter-appended) ---
"""Pipeline reference for scband-layout-reader-embeddings-42726334661205 (READ-ONLY COPY).

The authoritative reference and input builder live on the scoring server;
editing this copy changes nothing except your own understanding.
"""

import jax, jax.numpy as jnp
import numpy as np

VOCAB = 30522
HIDDEN = 768
MAX_2D = 1024
TYPE_VOCAB = 2
MAX_POS = 512
B, S = 64, 512


def setup_inputs(seed: int = 0) -> dict:
    key = jax.random.key(seed)
    ks = jax.random.split(key, 12)
    input_ids = jax.random.randint(ks[0], (B, S), 0, VOCAB, dtype=jnp.int64 if jax.config.jax_enable_x64 else jnp.int32)
    bbox = jnp.sort(jax.random.randint(ks[1], (B, S, 4), 0, MAX_2D), axis=-1)
    token_type_ids = jax.random.randint(ks[2], (B, S), 0, TYPE_VOCAB)
    word_emb = (jax.random.normal(ks[3], (VOCAB, HIDDEN), dtype=jnp.float32) * 0.02).at[0].set(0.0)  # padding_idx=0
    x_pos_emb = jax.random.normal(ks[4], (MAX_2D, HIDDEN), dtype=jnp.float32) * 0.02
    y_pos_emb = jax.random.normal(ks[5], (MAX_2D, HIDDEN), dtype=jnp.float32) * 0.02
    h_pos_emb = jax.random.normal(ks[6], (MAX_2D, HIDDEN), dtype=jnp.float32) * 0.02
    w_pos_emb = jax.random.normal(ks[7], (MAX_2D, HIDDEN), dtype=jnp.float32) * 0.02
    token_type_emb = jax.random.normal(ks[8], (TYPE_VOCAB, HIDDEN), dtype=jnp.float32) * 0.02
    pos_emb = jax.random.normal(ks[9], (MAX_POS, HIDDEN), dtype=jnp.float32) * 0.02
    ln_gamma = jnp.ones((HIDDEN,), dtype=jnp.float32)
    ln_beta = jnp.zeros((HIDDEN,), dtype=jnp.float32)
    return {
        'input_ids': input_ids,
        'bbox': bbox,
        'token_type_ids': token_type_ids,
        'word_emb': word_emb,
        'x_pos_emb': x_pos_emb,
        'y_pos_emb': y_pos_emb,
        'h_pos_emb': h_pos_emb,
        'w_pos_emb': w_pos_emb,
        'token_type_emb': token_type_emb,
        'pos_emb': pos_emb,
        'ln_gamma': ln_gamma,
        'ln_beta': ln_beta,
    }


def reference(input_ids, bbox, token_type_ids, word_emb, x_pos_emb, y_pos_emb,
              h_pos_emb, w_pos_emb, token_type_emb, pos_emb, ln_gamma, ln_beta):
    seq_length = input_ids.shape[1]
    position_ids = jnp.broadcast_to(jnp.arange(seq_length)[None, :], input_ids.shape)
    position_embeddings = jnp.take(pos_emb, position_ids, axis=0)
    left = jnp.take(x_pos_emb, bbox[:, :, 0], axis=0)
    upper = jnp.take(y_pos_emb, bbox[:, :, 1], axis=0)
    right = jnp.take(x_pos_emb, bbox[:, :, 2], axis=0)
    lower = jnp.take(y_pos_emb, bbox[:, :, 3], axis=0)
    h = jnp.take(h_pos_emb, bbox[:, :, 3] - bbox[:, :, 1], axis=0)
    w = jnp.take(w_pos_emb, bbox[:, :, 2] - bbox[:, :, 0], axis=0)
    embeddings = position_embeddings + left + upper + right + lower + h + w
    embeddings = embeddings + jnp.take(word_emb, input_ids, axis=0)
    embeddings = embeddings + jnp.take(token_type_emb, token_type_ids, axis=0)
    # LayerNorm (eps=1e-5), biased variance to match torch
    mean = jnp.mean(embeddings, axis=-1, keepdims=True)
    var = jnp.mean(jnp.square(embeddings - mean), axis=-1, keepdims=True)
    normed = (embeddings - mean) / jnp.sqrt(var + 1e-5)
    out = normed * ln_gamma + ln_beta
    # dropout is identity in eval mode
    return out

if __name__ == "__main__":
    import jax
    _d = setup_inputs()
    print(jax.jit(kernel)(*tuple(_d.values())))

</pallas_src>

<mosaic_0001>
#map = affine_map<(d0, d1) -> (0, 0)>
#map1 = affine_map<(d0, d1) -> (0)>
module attributes {stable_mosaic.version = 14 : i64} {
  func.func @_emb_ln(%arg0: i32, %arg1: i32, %arg2: memref<30522x768xf32, #tpu.memory_space<hbm>>, %arg3: memref<1024x768xf32, #tpu.memory_space<hbm>>, %arg4: memref<1024x768xf32, #tpu.memory_space<hbm>>, %arg5: memref<2048x768xf32, #tpu.memory_space<hbm>>, %arg6: memref<2x768xf32, #tpu.memory_space<hbm>>, %arg7: memref<512x768xf32, #tpu.memory_space<hbm>>, %arg8: memref<32768xi32, #tpu.memory_space<hbm>>, %arg9: memref<131072xi32, #tpu.memory_space<hbm>>, %arg10: memref<32768xi32, #tpu.memory_space<hbm>>, %arg11: memref<768xf32, #tpu.memory_space<hbm>>, %arg12: memref<768xf32, #tpu.memory_space<hbm>>, %arg13: memref<32768x768xf32, #tpu.memory_space<hbm>>, %arg14: memref<8x768xf32, #tpu.memory_space<vmem>>, %arg15: memref<8x768xf32, #tpu.memory_space<vmem>>, %arg16: memref<16x768xf32, #tpu.memory_space<vmem>>, %arg17: memref<16x768xf32, #tpu.memory_space<vmem>>, %arg18: memref<16x768xf32, #tpu.memory_space<vmem>>, %arg19: memref<16x768xf32, #tpu.memory_space<vmem>>, %arg20: memref<16x768xf32, #tpu.memory_space<vmem>>, %arg21: memref<16x768xf32, #tpu.memory_space<vmem>>, %arg22: memref<8x768xf32, #tpu.memory_space<vmem>>, %arg23: memref<8x768xf32, #tpu.memory_space<vmem>>, %arg24: memref<8x768xf32, #tpu.memory_space<vmem>>, %arg25: memref<8x768xf32, #tpu.memory_space<vmem>>, %arg26: memref<1024xi32, #tpu.memory_space<vmem>>, %arg27: memref<4096xi32, #tpu.memory_space<vmem>>, %arg28: memref<1024xi32, #tpu.memory_space<vmem>>, %arg29: memref<16xi32, #tpu.memory_space<vmem>>, %arg30: memref<16xi32, #tpu.memory_space<vmem>>, %arg31: memref<16xi32, #tpu.memory_space<vmem>>, %arg32: memref<16xi32, #tpu.memory_space<vmem>>, %arg33: memref<16xi32, #tpu.memory_space<vmem>>, %arg34: memref<16xi32, #tpu.memory_space<vmem>>, %arg35: memref<2x768xf32, #tpu.memory_space<vmem>>, %arg36: memref<768xf32, #tpu.memory_space<vmem>>, %arg37: memref<768xf32, #tpu.memory_space<vmem>>, %arg38: memref<768xf32, #tpu.memory_space<vmem>>, %arg39: memref<!tpu.dma_semaphore, #tpu.memory_space<semaphore_mem>>, %arg40: memref<!tpu.dma_semaphore, #tpu.memory_space<semaphore_mem>>, %arg41: memref<!tpu.dma_semaphore, #tpu.memory_space<semaphore_mem>>, %arg42: memref<!tpu.dma_semaphore, #tpu.memory_space<semaphore_mem>>) attributes {dimension_semantics = [#tpu.dimension_semantics<core_parallel>, #tpu.dimension_semantics<subcore_parallel>], iteration_bounds = array<i64: 2, 16>, scalar_prefetch = 0 : i64, scratch_operands = 29 : i64, tpu.core_type = #tpu.core_type<sc_vector_subcore>, window_params = [{transform_indices = #map}, {transform_indices = #map}, {transform_indices = #map}, {transform_indices = #map}, {transform_indices = #map}, {transform_indices = #map}, {transform_indices = #map1}, {transform_indices = #map1}, {transform_indices = #map1}, {transform_indices = #map1}, {transform_indices = #map1}, {transform_indices = #map}]} {
    %mul3A = arith.constant 2 : i32
    %mul3A_0 = arith.muli %arg1, %mul3A : i32
    %add3A = arith.addi %mul3A_0, %arg0 : i32
    %mul3A_1 = arith.constant 1024 : i32
    %mul3A_2 = arith.muli %add3A, %mul3A_1 : i32
    %multiple_of3A = tpu.assume_multiple %mul3A_2, 1024 : i32
    "tpu.region"() ({
      %run_scoped3A = tpu.sem_alloc : memref<!tpu.dma_semaphore, #tpu.memory_space<semaphore_mem>>
      %dma_start3A_89 = tpu.memref_slice %arg8[%multiple_of3A] : memref<32768xi32, #tpu.memory_space<hbm>> -> memref<1024xi32, #tpu.memory_space<hbm>>
      %dma_start3A_90 = tpu.memref_slice %arg8[%multiple_of3A] : memref<32768xi32, #tpu.memory_space<hbm>> -> memref<1024xi32, #tpu.memory_space<hbm>>
      tpu.enqueue_dma source(%dma_start3A_90 : memref<1024xi32, #tpu.memory_space<hbm>>) target(%arg26 : memref<1024xi32, #tpu.memory_space<vmem>>) target_semaphore(%run_scoped3A : memref<!tpu.dma_semaphore, #tpu.memory_space<semaphore_mem>>)
      %dma_wait3A_91 = tpu.memref_slice %arg8[%multiple_of3A] : memref<32768xi32, #tpu.memory_space<hbm>> -> memref<1024xi32, #tpu.memory_space<hbm>>
      %dma_wait3A_92 = tpu.memref_slice %arg8[%multiple_of3A] : memref<32768xi32, #tpu.memory_space<hbm>> -> memref<1024xi32, #tpu.memory_space<hbm>>
      tpu.wait_dma2 semaphore(%run_scoped3A : memref<!tpu.dma_semaphore, #tpu.memory_space<semaphore_mem>>) src(%dma_wait3A_92 : memref<1024xi32, #tpu.memory_space<hbm>>) dst(%arg26 : memref<1024xi32, #tpu.memory_space<vmem>>)
      tpu.yield
    }) : () -> ()
    %mul3A_3 = arith.constant 4 : i32
    %mul3A_4 = arith.muli %multiple_of3A, %mul3A_3 : i32
    %multiple_of3A_5 = tpu.assume_multiple %mul3A_4, 4096 : i32
    "tpu.region"() ({
      %run_scoped3A = tpu.sem_alloc : memref<!tpu.dma_semaphore, #tpu.memory_space<semaphore_mem>>
      %dma_start3A_89 = tpu.memref_slice %arg9[%multiple_of3A_5] : memref<131072xi32, #tpu.memory_space<hbm>> -> memref<4096xi32, #tpu.memory_space<hbm>>
      %dma_start3A_90 = tpu.memref_slice %arg9[%multiple_of3A_5] : memref<131072xi32, #tpu.memory_space<hbm>> -> memref<4096xi32, #tpu.memory_space<hbm>>
      tpu.enqueue_dma source(%dma_start3A_90 : memref<4096xi32, #tpu.memory_space<hbm>>) target(%arg27 : memref<4096xi32, #tpu.memory_space<vmem>>) target_semaphore(%run_scoped3A : memref<!tpu.dma_semaphore, #tpu.memory_space<semaphore_mem>>)
      %dma_wait3A_91 = tpu.memref_slice %arg9[%multiple_of3A_5] : memref<131072xi32, #tpu.memory_space<hbm>> -> memref<4096xi32, #tpu.memory_space<hbm>>
      %dma_wait3A_92 = tpu.memref_slice %arg9[%multiple_of3A_5] : memref<131072xi32, #tpu.memory_space<hbm>> -> memref<4096xi32, #tpu.memory_space<hbm>>
      tpu.wait_dma2 semaphore(%run_scoped3A : memref<!tpu.dma_semaphore, #tpu.memory_space<semaphore_mem>>) src(%dma_wait3A_92 : memref<4096xi32, #tpu.memory_space<hbm>>) dst(%arg27 : memref<4096xi32, #tpu.memory_space<vmem>>)
      tpu.yield
    }) : () -> ()
    "tpu.region"() ({
      %run_scoped3A = tpu.sem_alloc : memref<!tpu.dma_semaphore, #tpu.memory_space<semaphore_mem>>
      %dma_start3A_89 = tpu.memref_slice %arg10[%multiple_of3A] : memref<32768xi32, #tpu.memory_space<hbm>> -> memref<1024xi32, #tpu.memory_space<hbm>>
      %dma_start3A_90 = tpu.memref_slice %arg10[%multiple_of3A] : memref<32768xi32, #tpu.memory_space<hbm>> -> memref<1024xi32, #tpu.memory_space<hbm>>
      tpu.enqueue_dma source(%dma_start3A_90 : memref<1024xi32, #tpu.memory_space<hbm>>) target(%arg28 : memref<1024xi32, #tpu.memory_space<vmem>>) target_semaphore(%run_scoped3A : memref<!tpu.dma_semaphore, #tpu.memory_space<semaphore_mem>>)
      %dma_wait3A_91 = tpu.memref_slice %arg10[%multiple_of3A] : memref<32768xi32, #tpu.memory_space<hbm>> -> memref<1024xi32, #tpu.memory_space<hbm>>
      %dma_wait3A_92 = tpu.memref_slice %arg10[%multiple_of3A] : memref<32768xi32, #tpu.memory_space<hbm>> -> memref<1024xi32, #tpu.memory_space<hbm>>
      tpu.wait_dma2 semaphore(%run_scoped3A : memref<!tpu.dma_semaphore, #tpu.memory_space<semaphore_mem>>) src(%dma_wait3A_92 : memref<1024xi32, #tpu.memory_space<hbm>>) dst(%arg28 : memref<1024xi32, #tpu.memory_space<vmem>>)
      tpu.yield
    }) : () -> ()
    "tpu.region"() ({
      %run_scoped3A = tpu.sem_alloc : memref<!tpu.dma_semaphore, #tpu.memory_space<semaphore_mem>>
      tpu.enqueue_dma source(%arg6 : memref<2x768xf32, #tpu.memory_space<hbm>>) target(%arg35 : memref<2x768xf32, #tpu.memory_space<vmem>>) target_semaphore(%run_scoped3A : memref<!tpu.dma_semaphore, #tpu.memory_space<semaphore_mem>>)
      tpu.wait_dma2 semaphore(%run_scoped3A : memref<!tpu.dma_semaphore, #tpu.memory_space<semaphore_mem>>) src(%arg6 : memref<2x768xf32, #tpu.memory_space<hbm>>) dst(%arg35 : memref<2x768xf32, #tpu.memory_space<vmem>>)
      tpu.yield
    }) : () -> ()
    "tpu.region"() ({
      %run_scoped3A = tpu.sem_alloc : memref<!tpu.dma_semaphore, #tpu.memory_space<semaphore_mem>>
      tpu.enqueue_dma source(%arg11 : memref<768xf32, #tpu.memory_space<hbm>>) target(%arg37 : memref<768xf32, #tpu.memory_space<vmem>>) target_semaphore(%run_scoped3A : memref<!tpu.dma_semaphore, #tpu.memory_space<semaphore_mem>>)
      tpu.wait_dma2 semaphore(%run_scoped3A : memref<!tpu.dma_semaphore, #tpu.memory_space<semaphore_mem>>) src(%arg11 : memref<768xf32, #tpu.memory_space<hbm>>) dst(%arg37 : memref<768xf32, #tpu.memory_space<vmem>>)
      tpu.yield
    }) : () -> ()
    "tpu.region"() ({
      %run_scoped3A = tpu.sem_alloc : memref<!tpu.dma_semaphore, #tpu.memory_space<semaphore_mem>>
      tpu.enqueue_dma source(%arg12 : memref<768xf32, #tpu.memory_space<hbm>>) target(%arg38 : memref<768xf32, #tpu.memory_space<vmem>>) target_semaphore(%run_scoped3A : memref<!tpu.dma_semaphore, #tpu.memory_space<semaphore_mem>>)
      tpu.wait_dma2 semaphore(%run_scoped3A : memref<!tpu.dma_semaphore, #tpu.memory_space<semaphore_mem>>) src(%arg12 : memref<768xf32, #tpu.memory_space<hbm>>) dst(%arg38 : memref<768xf32, #tpu.memory_space<vmem>>)
      tpu.yield
    }) : () -> ()
    %scan3A = arith.constant 0 : i32
    %scan3A_6 = arith.constant 0 : i32
    %scan3A_7 = arith.constant 48 : i32
    %scan3A_8 = arith.addi %scan3A_6, %scan3A_7 : i32
    %scan3A_9 = arith.constant 1 : i32
    scf.for %scan3A_89 = %scan3A_6 to %scan3A_8 step %scan3A_9  : i32 {
      %mul3A_90 = arith.constant 16 : i32
      %mul3A_91 = arith.muli %scan3A_89, %mul3A_90 : i32
      %get3A = arith.constant 1 : i32
      %get3A_92 = arith.index_cast %get3A : i32 to index
      %get3A_93 = arith.index_cast %mul3A_91 : i32 to index
      %get3A_94 = tpu.vector_load %arg35[%get3A_92, %get3A_93] {strides = array<i32>} : memref<2x768xf32, #tpu.memory_space<vmem>>, vector<16xf32>,
      %get3A_95 = arith.constant 0 : i32
      %get3A_96 = arith.index_cast %get3A_95 : i32 to index
      %get3A_97 = arith.index_cast %mul3A_91 : i32 to index
      %get3A_98 = tpu.vector_load %arg35[%get3A_96, %get3A_97] {strides = array<i32>} : memref<2x768xf32, #tpu.memory_space<vmem>>, vector<16xf32>,
      %sub3A_99 = arith.subf %get3A_94, %get3A_98 : vector<16xf32>
      %swap3A_100 = arith.index_cast %mul3A_91 : i32 to index
      %swap3A_101 = tpu.vector_load %arg36[%swap3A_100] {strides = array<i32>} : memref<768xf32, #tpu.memory_space<vmem>>, vector<16xf32>,
      tpu.vector_store %arg36[%swap3A_100], %sub3A_99 {strides = array<i32>} : memref<768xf32, #tpu.memory_space<vmem>>, vector<16xf32>,
    }
    %scan3A_10 = arith.constant 48 : i32
    %iota3A = tpu.iota {dimensions = array<i32: 0>} : vector<16xi32>
    %and3A = arith.constant 7 : i32
    %and3A_11 = vector.broadcast %and3A : i32 to vector<16xi32>
    %and3A_12 = arith.andi %iota3A, %and3A_11 : vector<16xi32>
    %lt3A = arith.constant 8 : i32
    %lt3A_13 = vector.broadcast %lt3A : i32 to vector<16xi32>
    %lt3A_14 = arith.cmpi slt, %iota3A, %lt3A_13 : vector<16xi32>
    %multiple_of3A_15 = arith.constant 0 : i32
    %multiple_of3A_16 = tpu.assume_multiple %multiple_of3A_15, 8 : i32
    %add3A_17 = vector.broadcast %multiple_of3A_16 : i32 to vector<16xi32>
    %add3A_18 = arith.addi %add3A_17, %and3A_12 : vector<16xi32>
    %mul3A_19 = arith.constant 4 : i32
    %mul3A_20 = vector.broadcast %mul3A_19 : i32 to vector<16xi32>
    %mul3A_21 = arith.muli %add3A_18, %mul3A_20 : vector<16xi32>
    %jit3A = arith.constant 0 : i32
    %jit3A_22 = arith.constant 2 : i32
    %broadcast_in_dim3A = vector.broadcast %jit3A : i32 to vector<16xi32>
    %broadcast_in_dim3A_23 = vector.broadcast %jit3A_22 : i32 to vector<16xi32>
    %select_n3A = arith.select %lt3A_14, %broadcast_in_dim3A, %broadcast_in_dim3A_23 : vector<16xi1>, vector<16xi32>
    %add3A_24 = arith.addi %mul3A_21, %select_n3A : vector<16xi32>
    %gather3A = tpu.vector_load_idx %arg27[%add3A_24] : memref<4096xi32, #tpu.memory_space<vmem>>[vector<16xi32>], vector<16xi32>,
    %swap3A = arith.constant 0 : index
    %swap3A_25 = tpu.vector_load %arg29[%swap3A] {strides = array<i32>} : memref<16xi32, #tpu.memory_space<vmem>>, vector<16xi32>,
    tpu.vector_store %arg29[%swap3A], %gather3A {strides = array<i32>} : memref<16xi32, #tpu.memory_space<vmem>>, vector<16xi32>,
    %jit3A_26 = arith.constant 1 : i32
    %jit3A_27 = arith.constant 3 : i32
    %broadcast_in_dim3A_28 = vector.broadcast %jit3A_26 : i32 to vector<16xi32>
    %broadcast_in_dim3A_29 = vector.broadcast %jit3A_27 : i32 to vector<16xi32>
    %select_n3A_30 = arith.select %lt3A_14, %broadcast_in_dim3A_28, %broadcast_in_dim3A_29 : vector<16xi1>, vector<16xi32>
    %add3A_31 = arith.addi %mul3A_21, %select_n3A_30 : vector<16xi32>
    %gather3A_32 = tpu.vector_load_idx %arg27[%add3A_31] : memref<4096xi32, #tpu.memory_space<vmem>>[vector<16xi32>], vector<16xi32>,
    %swap3A_33 = arith.constant 0 : index
    %swap3A_34 = tpu.vector_load %arg31[%swap3A_33] {strides = array<i32>} : memref<16xi32, #tpu.memory_space<vmem>>, vector<16xi32>,
    tpu.vector_store %arg31[%swap3A_33], %gather3A_32 {strides = array<i32>} : memref<16xi32, #tpu.memory_space<vmem>>, vector<16xi32>,
    %jit3A_35 = arith.constant 3 : i32
    %jit3A_36 = arith.constant 2 : i32
    %broadcast_in_dim3A_37 = vector.broadcast %jit3A_35 : i32 to vector<16xi32>
    %broadcast_in_dim3A_38 = vector.broadcast %jit3A_36 : i32 to vector<16xi32>
    %select_n3A_39 = arith.select %lt3A_14, %broadcast_in_dim3A_37, %broadcast_in_dim3A_38 : vector<16xi1>, vector<16xi32>
    %add3A_40 = arith.addi %mul3A_21, %select_n3A_39 : vector<16xi32>
    %gather3A_41 = tpu.vector_load_idx %arg27[%add3A_40] : memref<4096xi32, #tpu.memory_space<vmem>>[vector<16xi32>], vector<16xi32>,
    %jit3A_42 = arith.constant 1 : i32
    %jit3A_43 = arith.constant 0 : i32
    %broadcast_in_dim3A_44 = vector.broadcast %jit3A_42 : i32 to vector<16xi32>
    %broadcast_in_dim3A_45 = vector.broadcast %jit3A_43 : i32 to vector<16xi32>
    %select_n3A_46 = arith.select %lt3A_14, %broadcast_in_dim3A_44, %broadcast_in_dim3A_45 : vector<16xi1>, vector<16xi32>
    %add3A_47 = arith.addi %mul3A_21, %select_n3A_46 : vector<16xi32>
    %gather3A_48 = tpu.vector_load_idx %arg27[%add3A_47] : memref<4096xi32, #tpu.memory_space<vmem>>[vector<16xi32>], vector<16xi32>,
    %sub3A = arith.subi %gather3A_41, %gather3A_48 : vector<16xi32>
    %jit3A_49 = arith.constant 0 : i32
    %jit3A_50 = arith.constant 1024 : i32
    %broadcast_in_dim3A_51 = vector.broadcast %jit3A_49 : i32 to vector<16xi32>
    %broadcast_in_dim3A_52 = vector.broadcast %jit3A_50 : i32 to vector<16xi32>
    %select_n3A_53 = arith.select %lt3A_14, %broadcast_in_dim3A_51, %broadcast_in_dim3A_52 : vector<16xi1>, vector<16xi32>
    %add3A_54 = arith.addi %sub3A, %select_n3A_53 : vector<16xi32>
    %swap3A_55 = arith.constant 0 : index
    %swap3A_56 = tpu.vector_load %arg33[%swap3A_55] {strides = array<i32>} : memref<16xi32, #tpu.memory_space<vmem>>, vector<16xi32>,
    tpu.vector_store %arg33[%swap3A_55], %add3A_54 {strides = array<i32>} : memref<16xi32, #tpu.memory_space<vmem>>, vector<16xi32>,
    %dma_start3A = tpu.memref_slice %arg26[%multiple_of3A_16] : memref<1024xi32, #tpu.memory_space<vmem>> -> memref<8xi32, #tpu.memory_space<vmem>>
    %dma_start3A_57 = arith.constant 0 : i32
    %dma_start3A_58 = arith.constant 0 : i32
    %dma_start3A_59 = tpu.memref_slice %arg2[%dma_start3A_57, %dma_start3A_58] : memref<30522x768xf32, #tpu.memory_space<hbm>> -> memref<30522x768xf32, #tpu.memory_space<hbm>>
    tpu.enqueue_indirect_dma source(%dma_start3A_59 : memref<30522x768xf32, #tpu.memory_space<hbm>>) target(%arg14 : memref<8x768xf32, #tpu.memory_space<vmem>>) offsets(%dma_start3A : memref<8xi32, #tpu.memory_space<vmem>>) semaphore(%arg39 : memref<!tpu.dma_semaphore, #tpu.memory_space<semaphore_mem>>)
    %dma_start3A_60 = arith.constant 0 : i32
    %dma_start3A_61 = arith.constant 0 : i32
    %dma_start3A_62 = tpu.memref_slice %arg3[%dma_start3A_60, %dma_start3A_61] : memref<1024x768xf32, #tpu.memory_space<hbm>> -> memref<1024x768xf32, #tpu.memory_space<hbm>>
    tpu.enqueue_indirect_dma source(%dma_start3A_62 : memref<1024x768xf32, #tpu.memory_space<hbm>>) target(%arg16 : memref<16x768xf32, #tpu.memory_space<vmem>>) offsets(%arg29 : memref<16xi32, #tpu.memory_space<vmem>>) semaphore(%arg39 : memref<!tpu.dma_semaphore, #tpu.memory_space<semaphore_mem>>)
    %dma_start3A_63 = arith.constant 0 : i32
    %dma_start3A_64 = arith.constant 0 : i32
    %dma_start3A_65 = tpu.memref_slice %arg4[%dma_start3A_63, %dma_start3A_64] : memref<1024x768xf32, #tpu.memory_space<hbm>> -> memref<1024x768xf32, #tpu.memory_space<hbm>>
    tpu.enqueue_indirect_dma source(%dma_start3A_65 : memref<1024x768xf32, #tpu.memory_space<hbm>>) target(%arg18 : memref<16x768xf32, #tpu.memory_space<vmem>>) offsets(%arg31 : memref<16xi32, #tpu.memory_space<vmem>>) semaphore(%arg39 : memref<!tpu.dma_semaphore, #tpu.memory_space<semaphore_mem>>)
    %dma_start3A_66 = arith.constant 0 : i32
    %dma_start3A_67 = arith.constant 0 : i32
    %dma_start3A_68 = tpu.memref_slice %arg5[%dma_start3A_66, %dma_start3A_67] : memref<2048x768xf32, #tpu.memory_space<hbm>> -> memref<2048x768xf32, #tpu.memory_space<hbm>>
    tpu.enqueue_indirect_dma source(%dma_start3A_68 : memref<2048x768xf32, #tpu.memory_space<hbm>>) target(%arg20 : memref<16x768xf32, #tpu.memory_space<vmem>>) offsets(%arg33 : memref<16xi32, #tpu.memory_space<vmem>>) semaphore(%arg39 : memref<!tpu.dma_semaphore, #tpu.memory_space<semaphore_mem>>)
    %and3A_69 = arith.constant 511 : i32
    %and3A_70 = arith.andi %multiple_of3A_16, %and3A_69 : i32
    %multiple_of3A_71 = tpu.assume_multiple %and3A_70, 8 : i32
    %dma_start3A_72 = arith.constant 0 : i32
    %dma_start3A_73 = tpu.memref_slice %arg7[%multiple_of3A_71, %dma_start3A_72] : memref<512x768xf32, #tpu.memory_space<hbm>> -> memref<8x768xf32, #tpu.memory_space<hbm>>
    %dma_start3A_74 = arith.constant 0 : i32
    %dma_start3A_75 = tpu.memref_slice %arg7[%multiple_of3A_71, %dma_start3A_74] : memref<512x768xf32, #tpu.memory_space<hbm>> -> memref<8x768xf32, #tpu.memory_space<hbm>>
    tpu.enqueue_dma source(%dma_start3A_75 : memref<8x768xf32, #tpu.memory_space<hbm>>) target(%arg22 : memref<8x768xf32, #tpu.memory_space<vmem>>) target_semaphore(%arg39 : memref<!tpu.dma_semaphore, #tpu.memory_space<semaphore_mem>>)
    %scan3A_76 = arith.constant 0 : i32
    %scan3A_77 = arith.constant 0 : i32
    %scan3A_78 = arith.constant 64 : i32
    %scan3A_79 = arith.addi %scan3A_77, %scan3A_78 : i32
    %scan3A_80 = arith.constant 1 : i32
    scf.for %scan3A_89 = %scan3A_77 to %scan3A_79 step %scan3A_80  : i32 {
      %mul3A_90 = arith.constant 2 : i32
      %mul3A_91 = arith.muli %mul3A_90, %scan3A_89 : i32
      %add3A_92 = arith.constant 1 : i32
      %add3A_93 = arith.addi %mul3A_91, %add3A_92 : i32
      %mul3A_94 = arith.constant 8 : i32
      %mul3A_95 = arith.muli %add3A_93, %mul3A_94 : i32
      %multiple_of3A_96 = tpu.assume_multiple %mul3A_95, 8 : i32
      %add3A_97 = vector.broadcast %multiple_of3A_96 : i32 to vector<16xi32>
      %add3A_98 = arith.addi %add3A_97, %and3A_12 : vector<16xi32>
      %mul3A_99 = arith.constant 4 : i32
      %mul3A_100 = vector.broadcast %mul3A_99 : i32 to vector<16xi32>
      %mul3A_101 = arith.muli %add3A_98, %mul3A_100 : vector<16xi32>
      %jit3A_102 = arith.constant 0 : i32
      %jit3A_103 = arith.constant 2 : i32
      %broadcast_in_dim3A_104 = vector.broadcast %jit3A_102 : i32 to vector<16xi32>
      %broadcast_in_dim3A_105 = vector.broadcast %jit3A_103 : i32 to vector<16xi32>
      %select_n3A_106 = arith.select %lt3A_14, %broadcast_in_dim3A_104, %broadcast_in_dim3A_105 : vector<16xi1>, vector<16xi32>
      %add3A_107 = arith.addi %mul3A_101, %select_n3A_106 : vector<16xi32>
      %gather3A_108 = tpu.vector_load_idx %arg27[%add3A_107] : memref<4096xi32, #tpu.memory_space<vmem>>[vector<16xi32>], vector<16xi32>,
      %swap3A_109 = arith.constant 0 : index
      %swap3A_110 = tpu.vector_load %arg30[%swap3A_109] {strides = array<i32>} : memref<16xi32, #tpu.memory_space<vmem>>, vector<16xi32>,
      tpu.vector_store %arg30[%swap3A_109], %gather3A_108 {strides = array<i32>} : memref<16xi32, #tpu.memory_space<vmem>>, vector<16xi32>,
      %jit3A_111 = arith.constant 1 : i32
      %jit3A_112 = arith.constant 3 : i32
      %broadcast_in_dim3A_113 = vector.broadcast %jit3A_111 : i32 to vector<16xi32>
      %broadcast_in_dim3A_114 = vector.broadcast %jit3A_112 : i32 to vector<16xi32>
      %select_n3A_115 = arith.select %lt3A_14, %broadcast_in_dim3A_113, %broadcast_in_dim3A_114 : vector<16xi1>, vector<16xi32>
      %add3A_116 = arith.addi %mul3A_101, %select_n3A_115 : vector<16xi32>
      %gather3A_117 = tpu.vector_load_idx %arg27[%add3A_116] : memref<4096xi32, #tpu.memory_space<vmem>>[vector<16xi32>], vector<16xi32>,
      %swap3A_118 = arith.constant 0 : index
      %swap3A_119 = tpu.vector_load %arg32[%swap3A_118] {strides = array<i32>} : memref<16xi32, #tpu.memory_space<vmem>>, vector<16xi32>,
      tpu.vector_store %arg32[%swap3A_118], %gather3A_117 {strides = array<i32>} : memref<16xi32, #tpu.memory_space<vmem>>, vector<16xi32>,
      %jit3A_120 = arith.constant 3 : i32
      %jit3A_121 = arith.constant 2 : i32
      %broadcast_in_dim3A_122 = vector.broadcast %jit3A_120 : i32 to vector<16xi32>
      %broadcast_in_dim3A_123 = vector.broadcast %jit3A_121 : i32 to vector<16xi32>
      %select_n3A_124 = arith.select %lt3A_14, %broadcast_in_dim3A_122, %broadcast_in_dim3A_123 : vector<16xi1>, vector<16xi32>
      %add3A_125 = arith.addi %mul3A_101, %select_n3A_124 : vector<16xi32>
      %gather3A_126 = tpu.vector_load_idx %arg27[%add3A_125] : memref<4096xi32, #tpu.memory_space<vmem>>[vector<16xi32>], vector<16xi32>,
      %jit3A_127 = arith.constant 1 : i32
      %jit3A_128 = arith.constant 0 : i32
      %broadcast_in_dim3A_129 = vector.broadcast %jit3A_127 : i32 to vector<16xi32>
      %broadcast_in_dim3A_130 = vector.broadcast %jit3A_128 : i32 to vector<16xi32>
      %select_n3A_131 = arith.select %lt3A_14, %broadcast_in_dim3A_129, %broadcast_in_dim3A_130 : vector<16xi1>, vector<16xi32>
      %add3A_132 = arith.addi %mul3A_101, %select_n3A_131 : vector<16xi32>
      %gather3A_133 = tpu.vector_load_idx %arg27[%add3A_132] : memref<4096xi32, #tpu.memory_space<vmem>>[vector<16xi32>], vector<16xi32>,
      %sub3A_134 = arith.subi %gather3A_126, %gather3A_133 : vector<16xi32>
      %jit3A_135 = arith.constant 0 : i32
      %jit3A_136 = arith.constant 1024 : i32
      %broadcast_in_dim3A_137 = vector.broadcast %jit3A_135 : i32 to vector<16xi32>
      %broadcast_in_dim3A_138 = vector.broadcast %jit3A_136 : i32 to vector<16xi32>
      %select_n3A_139 = arith.select %lt3A_14, %broadcast_in_dim3A_137, %broadcast_in_dim3A_138 : vector<16xi1>, vector<16xi32>
      %add3A_140 = arith.addi %sub3A_134, %select_n3A_139 : vector<16xi32>
      %swap3A_141 = arith.constant 0 : index
      %swap3A_142 = tpu.vector_load %arg34[%swap3A_141] {strides = array<i32>} : memref<16xi32, #tpu.memory_space<vmem>>, vector<16xi32>,
      tpu.vector_store %arg34[%swap3A_141], %add3A_140 {strides = array<i32>} : memref<16xi32, #tpu.memory_space<vmem>>, vector<16xi32>,
      %dma_start3A_143 = tpu.memref_slice %arg26[%multiple_of3A_96] : memref<1024xi32, #tpu.memory_space<vmem>> -> memref<8xi32, #tpu.memory_space<vmem>>
      %dma_start3A_144 = arith.constant 0 : i32
      %dma_start3A_145 = arith.constant 0 : i32
      %dma_start3A_146 = tpu.memref_slice %arg2[%dma_start3A_144, %dma_start3A_145] : memref<30522x768xf32, #tpu.memory_space<hbm>> -> memref<30522x768xf32, #tpu.memory_space<hbm>>
      tpu.enqueue_indirect_dma source(%dma_start3A_146 : memref<30522x768xf32, #tpu.memory_space<hbm>>) target(%arg15 : memref<8x768xf32, #tpu.memory_space<vmem>>) offsets(%dma_start3A_143 : memref<8xi32, #tpu.memory_space<vmem>>) semaphore(%arg40 : memref<!tpu.dma_semaphore, #tpu.memory_space<semaphore_mem>>)
      %dma_start3A_147 = arith.constant 0 : i32
      %dma_start3A_148 = arith.constant 0 : i32
      %dma_start3A_149 = tpu.memref_slice %arg3[%dma_start3A_147, %dma_start3A_148] : memref<1024x768xf32, #tpu.memory_space<hbm>> -> memref<1024x768xf32, #tpu.memory_space<hbm>>
      tpu.enqueue_indirect_dma source(%dma_start3A_149 : memref<1024x768xf32, #tpu.memory_space<hbm>>) target(%arg17 : memref<16x768xf32, #tpu.memory_space<vmem>>) offsets(%arg30 : memref<16xi32, #tpu.memory_space<vmem>>) semaphore(%arg40 : memref<!tpu.dma_semaphore, #tpu.memory_space<semaphore_mem>>)
      %dma_start3A_150 = arith.constant 0 : i32
      %dma_start3A_151 = arith.constant 0 : i32
      %dma_start3A_152 = tpu.memref_slice %arg4[%dma_start3A_150, %dma_start3A_151] : memref<1024x768xf32, #tpu.memory_space<hbm>> -> memref<1024x768xf32, #tpu.memory_space<hbm>>
      tpu.enqueue_indirect_dma source(%dma_start3A_152 : memref<1024x768xf32, #tpu.memory_space<hbm>>) target(%arg19 : memref<16x768xf32, #tpu.memory_space<vmem>>) offsets(%arg32 : memref<16xi32, #tpu.memory_space<vmem>>) semaphore(%arg40 : memref<!tpu.dma_semaphore, #tpu.memory_space<semaphore_mem>>)
      %dma_start3A_153 = arith.constant 0 : i32
      %dma_start3A_154 = arith.constant 0 : i32
      %dma_start3A_155 = tpu.memref_slice %arg5[%dma_start3A_153, %dma_start3A_154] : memref<2048x768xf32, #tpu.memory_space<hbm>> -> memref<2048x768xf32, #tpu.memory_space<hbm>>
      tpu.enqueue_indirect_dma source(%dma_start3A_155 : memref<2048x768xf32, #tpu.memory_space<hbm>>) target(%arg21 : memref<16x768xf32, #tpu.memory_space<vmem>>) offsets(%arg34 : memref<16xi32, #tpu.memory_space<vmem>>) semaphore(%arg40 : memref<!tpu.dma_semaphore, #tpu.memory_space<semaphore_mem>>)
      %and3A_156 = arith.constant 511 : i32
      %and3A_157 = arith.andi %multiple_of3A_96, %and3A_156 : i32
      %multiple_of3A_158 = tpu.assume_multiple %and3A_157, 8 : i32
      %dma_start3A_159 = arith.constant 0 : i32
      %dma_start3A_160 = tpu.memref_slice %arg7[%multiple_of3A_158, %dma_start3A_159] : memref<512x768xf32, #tpu.memory_space<hbm>> -> memref<8x768xf32, #tpu.memory_space<hbm>>
      %dma_start3A_161 = arith.constant 0 : i32
      %dma_start3A_162 = tpu.memref_slice %arg7[%multiple_of3A_158, %dma_start3A_161] : memref<512x768xf32, #tpu.memory_space<hbm>> -> memref<8x768xf32, #tpu.memory_space<hbm>>
      tpu.enqueue_dma source(%dma_start3A_162 : memref<8x768xf32, #tpu.memory_space<hbm>>) target(%arg23 : memref<8x768xf32, #tpu.memory_space<vmem>>) target_semaphore(%arg40 : memref<!tpu.dma_semaphore, #tpu.memory_space<semaphore_mem>>)
      %dma_wait3A_163 = arith.constant 0 : i32
      %dma_wait3A_164 = arith.constant 0 : i32
      %dma_wait3A_165 = tpu.memref_slice %arg2[%dma_wait3A_163, %dma_wait3A_164] : memref<30522x768xf32, #tpu.memory_space<hbm>> -> memref<8x768xf32, #tpu.memory_space<hbm>>
      %dma_wait3A_166 = arith.constant 0 : i32
      %dma_wait3A_167 = arith.constant 0 : i32
      %dma_wait3A_168 = tpu.memref_slice %arg2[%dma_wait3A_166, %dma_wait3A_167] : memref<30522x768xf32, #tpu.memory_space<hbm>> -> memref<8x768xf32, #tpu.memory_space<hbm>>
      tpu.wait_dma2 semaphore(%arg39 : memref<!tpu.dma_semaphore, #tpu.memory_space<semaphore_mem>>) src(%dma_wait3A_168 : memref<8x768xf32, #tpu.memory_space<hbm>>) dst(%arg14 : memref<8x768xf32, #tpu.memory_space<vmem>>)
      %dma_wait3A_169 = arith.constant 0 : i32
      %dma_wait3A_170 = arith.constant 0 : i32
      %dma_wait3A_171 = tpu.memref_slice %arg3[%dma_wait3A_169, %dma_wait3A_170] : memref<1024x768xf32, #tpu.memory_space<hbm>> -> memref<16x768xf32, #tpu.memory_space<hbm>>
      %dma_wait3A_172 = arith.constant 0 : i32
      %dma_wait3A_173 = arith.constant 0 : i32
      %dma_wait3A_174 = tpu.memref_slice %arg3[%dma_wait3A_172, %dma_wait3A_173] : memref<1024x768xf32, #tpu.memory_space<hbm>> -> memref<16x768xf32, #tpu.memory_space<hbm>>
      tpu.wait_dma2 semaphore(%arg39 : memref<!tpu.dma_semaphore, #tpu.memory_space<semaphore_mem>>) src(%dma_wait3A_174 : memref<16x768xf32, #tpu.memory_space<hbm>>) dst(%arg16 : memref<16x768xf32, #tpu.memory_space<vmem>>)
      %dma_wait3A_175 = arith.constant 0 : i32
      %dma_wait3A_176 = arith.constant 0 : i32
      %dma_wait3A_177 = tpu.memref_slice %arg4[%dma_wait3A_175, %dma_wait3A_176] : memref<1024x768xf32, #tpu.memory_space<hbm>> -> memref<16x768xf32, #tpu.memory_space<hbm>>
      %dma_wait3A_178 = arith.constant 0 : i32
      %dma_wait3A_179 = arith.constant 0 : i32
      %dma_wait3A_180 = tpu.memref_slice %arg4[%dma_wait3A_178, %dma_wait3A_179] : memref<1024x768xf32, #tpu.memory_space<hbm>> -> memref<16x768xf32, #tpu.memory_space<hbm>>
      tpu.wait_dma2 semaphore(%arg39 : memref<!tpu.dma_semaphore, #tpu.memory_space<semaphore_mem>>) src(%dma_wait3A_180 : memref<16x768xf32, #tpu.memory_space<hbm>>) dst(%arg18 : memref<16x768xf32, #tpu.memory_space<vmem>>)
      %dma_wait3A_181 = arith.constant 0 : i32
      %dma_wait3A_182 = arith.constant 0 : i32
      %dma_wait3A_183 = tpu.memref_slice %arg5[%dma_wait3A_181, %dma_wait3A_182] : memref<2048x768xf32, #tpu.memory_space<hbm>> -> memref<16x768xf32, #tpu.memory_space<hbm>>
      %dma_wait3A_184 = arith.constant 0 : i32
      %dma_wait3A_185 = arith.constant 0 : i32
      %dma_wait3A_186 = tpu.memref_slice %arg5[%dma_wait3A_184, %dma_wait3A_185] : memref<2048x768xf32, #tpu.memory_space<hbm>> -> memref<16x768xf32, #tpu.memory_space<hbm>>
      tpu.wait_dma2 semaphore(%arg39 : memref<!tpu.dma_semaphore, #tpu.memory_space<semaphore_mem>>) src(%dma_wait3A_186 : memref<16x768xf32, #tpu.memory_space<hbm>>) dst(%arg20 : memref<16x768xf32, #tpu.memory_space<vmem>>)
      %dma_wait3A_187 = arith.constant 0 : i32
      %dma_wait3A_188 = arith.constant 0 : i32
      %dma_wait3A_189 = tpu.memref_slice %arg7[%dma_wait3A_187, %dma_wait3A_188] : memref<512x768xf32, #tpu.memory_space<hbm>> -> memref<8x768xf32, #tpu.memory_space<hbm>>
      %dma_wait3A_190 = arith.constant 0 : i32
      %dma_wait3A_191 = arith.constant 0 : i32
      %dma_wait3A_192 = tpu.memref_slice %arg7[%dma_wait3A_190, %dma_wait3A_191] : memref<512x768xf32, #tpu.memory_space<hbm>> -> memref<8x768xf32, #tpu.memory_space<hbm>>
      tpu.wait_dma2 semaphore(%arg39 : memref<!tpu.dma_semaphore, #tpu.memory_space<semaphore_mem>>) src(%dma_wait3A_192 : memref<8x768xf32, #tpu.memory_space<hbm>>) dst(%arg22 : memref<8x768xf32, #tpu.memory_space<vmem>>)
      %gt3A = arith.constant 0 : i32
      %gt3A_193 = arith.cmpi sgt, %scan3A_89, %gt3A : i32
      %convert_element_type3A = arith.extui %gt3A_193 : i1 to i32
      %cond3A = arith.constant 0 : i32
      %cond3A_194 = arith.cmpi ne, %convert_element_type3A, %cond3A : i32
      scf.if %cond3A_194 {
        %dma_wait3A_267 = arith.constant 0 : i32
        %dma_wait3A_268 = tpu.memref_slice %arg13[%multiple_of3A, %dma_wait3A_267] : memref<32768x768xf32, #tpu.memory_space<hbm>> -> memref<8x768xf32, #tpu.memory_space<hbm>>
        %dma_wait3A_269 = arith.constant 0 : i32
        %dma_wait3A_270 = tpu.memref_slice %arg13[%multiple_of3A, %dma_wait3A_269] : memref<32768x768xf32, #tpu.memory_space<hbm>> -> memref<8x768xf32, #tpu.memory_space<hbm>>
        tpu.wait_dma2 semaphore(%arg41 : memref<!tpu.dma_semaphore, #tpu.memory_space<semaphore_mem>>) src(%arg24 : memref<8x768xf32, #tpu.memory_space<vmem>>) dst(%dma_wait3A_270 : memref<8x768xf32, #tpu.memory_space<hbm>>)
      } else {
      }
      %mul3A_195 = arith.constant 8 : i32
      %mul3A_196 = arith.muli %mul3A_91, %mul3A_195 : i32
      %scan3A_197 = arith.constant 0 : i32
      %scan3A_198 = arith.constant 0 : i32
      %scan3A_199 = arith.constant 8 : i32
      %scan3A_200 = arith.addi %scan3A_198, %scan3A_199 : i32
      %scan3A_201 = arith.constant 1 : i32
      scf.for %scan3A_267 = %scan3A_198 to %scan3A_200 step %scan3A_201  : i32 {
        %add3A_268 = arith.addi %mul3A_196, %scan3A_267 : i32
        %broadcast_in_dim3A_269 = vector.broadcast %add3A_268 : i32 to vector<16xi32>
        %gather3A_270 = tpu.vector_load_idx %arg28[%broadcast_in_dim3A_269] : memref<1024xi32, #tpu.memory_space<vmem>>[vector<16xi32>], vector<16xi32>,
        %convert_element_type3A_271 = arith.sitofp %gather3A_270 : vector<16xi32> to vector<16xf32>
        %broadcast_in_dim3A_272 = arith.constant 0.000000e+00 : f32
        %broadcast_in_dim3A_273 = vector.broadcast %broadcast_in_dim3A_272 : f32 to vector<16xf32>
        %parallel_loop3A = arith.constant 0 : i32
        %parallel_loop3A_274 = arith.constant 48 : i32
        %parallel_loop3A_275 = arith.constant 1 : i32
        %parallel_loop3A_276:2 = scf.for %parallel_loop3A_336 = %parallel_loop3A to %parallel_loop3A_274 step %parallel_loop3A_275 iter_args(%parallel_loop3A_337 = %broadcast_in_dim3A_273, %parallel_loop3A_338 = %broadcast_in_dim3A_273) -> (vector<16xf32>, vector<16xf32>)  : i32 {
          %parallel_loop3A_339 = arith.constant 16 : i32
          %parallel_loop3A_340 = arith.muli %parallel_loop3A_336, %parallel_loop3A_339 : i32
          %parallel_loop3A_341 = arith.index_cast %scan3A_267 : i32 to index
          %parallel_loop3A_342 = arith.index_cast %parallel_loop3A_340 : i32 to index
          %parallel_loop3A_343 = tpu.vector_load %arg22[%parallel_loop3A_341, %parallel_loop3A_342] {strides = array<i32>} : memref<8x768xf32, #tpu.memory_space<vmem>>, vector<16xf32>,
          %parallel_loop3A_344 = arith.constant 0 : i32
          %parallel_loop3A_345 = arith.index_cast %parallel_loop3A_344 : i32 to index
          %parallel_loop3A_346 = arith.index_cast %parallel_loop3A_340 : i32 to index
          %parallel_loop3A_347 = tpu.vector_load %arg35[%parallel_loop3A_345, %parallel_loop3A_346] {strides = array<i32>} : memref<2x768xf32, #tpu.memory_space<vmem>>, vector<16xf32>,
          %parallel_loop3A_348 = arith.addf %parallel_loop3A_343, %parallel_loop3A_347 : vector<16xf32>
          %parallel_loop3A_349 = arith.index_cast %parallel_loop3A_340 : i32 to index
          %parallel_loop3A_350 = tpu.vector_load %arg36[%parallel_loop3A_349] {strides = array<i32>} : memref<768xf32, #tpu.memory_space<vmem>>, vector<16xf32>,
          %parallel_loop3A_351 = arith.mulf %convert_element_type3A_271, %parallel_loop3A_350 : vector<16xf32>
          %parallel_loop3A_352 = arith.addf %parallel_loop3A_348, %parallel_loop3A_351 : vector<16xf32>
          %parallel_loop3A_353 = arith.index_cast %scan3A_267 : i32 to index
          %parallel_loop3A_354 = arith.index_cast %parallel_loop3A_340 : i32 to index
          %parallel_loop3A_355 = tpu.vector_load %arg14[%parallel_loop3A_353, %parallel_loop3A_354] {strides = array<i32>} : memref<8x768xf32, #tpu.memory_space<vmem>>, vector<16xf32>,
          %parallel_loop3A_356 = arith.addf %parallel_loop3A_352, %parallel_loop3A_355 : vector<16xf32>
          %parallel_loop3A_357 = arith.index_cast %scan3A_267 : i32 to index
          %parallel_loop3A_358 = arith.index_cast %parallel_loop3A_340 : i32 to index
          %parallel_loop3A_359 = tpu.vector_load %arg16[%parallel_loop3A_357, %parallel_loop3A_358] {strides = array<i32>} : memref<16x768xf32, #tpu.memory_space<vmem>>, vector<16xf32>,
          %parallel_loop3A_360 = arith.addf %parallel_loop3A_356, %parallel_loop3A_359 : vector<16xf32>
          %parallel_loop3A_361 = arith.constant 8 : i32
          %parallel_loop3A_362 = arith.addi %scan3A_267, %parallel_loop3A_361 : i32
          %parallel_loop3A_363 = arith.index_cast %parallel_loop3A_362 : i32 to index
          %parallel_loop3A_364 = arith.index_cast %parallel_loop3A_340 : i32 to index
          %parallel_loop3A_365 = tpu.vector_load %arg16[%parallel_loop3A_363, %parallel_loop3A_364] {strides = array<i32>} : memref<16x768xf32, #tpu.memory_space<vmem>>, vector<16xf32>,
          %parallel_loop3A_366 = arith.addf %parallel_loop3A_360, %parallel_loop3A_365 : vector<16xf32>
          %parallel_loop3A_367 = arith.index_cast %scan3A_267 : i32 to index
          %parallel_loop3A_368 = arith.index_cast %parallel_loop3A_340 : i32 to index
          %parallel_loop3A_369 = tpu.vector_load %arg18[%parallel_loop3A_367, %parallel_loop3A_368] {strides = array<i32>} : memref<16x768xf32, #tpu.memory_space<vmem>>, vector<16xf32>,
          %parallel_loop3A_370 = arith.addf %parallel_loop3A_366, %parallel_loop3A_369 : vector<16xf32>
          %parallel_loop3A_371 = arith.constant 8 : i32
          %parallel_loop3A_372 = arith.addi %scan3A_267, %parallel_loop3A_371 : i32
          %parallel_loop3A_373 = arith.index_cast %parallel_loop3A_372 : i32 to index
          %parallel_loop3A_374 = arith.index_cast %parallel_loop3A_340 : i32 to index
          %parallel_loop3A_375 = tpu.vector_load %arg18[%parallel_loop3A_373, %parallel_loop3A_374] {strides = array<i32>} : memref<16x768xf32, #tpu.memory_space<vmem>>, vector<16xf32>,
          %parallel_loop3A_376 = arith.addf %parallel_loop3A_370, %parallel_loop3A_375 : vector<16xf32>
          %parallel_loop3A_377 = arith.index_cast %scan3A_267 : i32 to index
          %parallel_loop3A_378 = arith.index_cast %parallel_loop3A_340 : i32 to index
          %parallel_loop3A_379 = tpu.vector_load %arg20[%parallel_loop3A_377, %parallel_loop3A_378] {strides = array<i32>} : memref<16x768xf32, #tpu.memory_space<vmem>>, vector<16xf32>,
          %parallel_loop3A_380 = arith.addf %parallel_loop3A_376, %parallel_loop3A_379 : vector<16xf32>
          %parallel_loop3A_381 = arith.constant 8 : i32
          %parallel_loop3A_382 = arith.addi %scan3A_267, %parallel_loop3A_381 : i32
          %parallel_loop3A_383 = arith.index_cast %parallel_loop3A_382 : i32 to index
          %parallel_loop3A_384 = arith.index_cast %parallel_loop3A_340 : i32 to index
          %parallel_loop3A_385 = tpu.vector_load %arg20[%parallel_loop3A_383, %parallel_loop3A_384] {strides = array<i32>} : memref<16x768xf32, #tpu.memory_space<vmem>>, vector<16xf32>,
          %parallel_loop3A_386 = arith.addf %parallel_loop3A_380, %parallel_loop3A_385 : vector<16xf32>
          %parallel_loop3A_387 = arith.index_cast %scan3A_267 : i32 to index
          %parallel_loop3A_388 = arith.index_cast %parallel_loop3A_340 : i32 to index
          %parallel_loop3A_389 = tpu.vector_load %arg24[%parallel_loop3A_387, %parallel_loop3A_388] {strides = array<i32>} : memref<8x768xf32, #tpu.memory_space<vmem>>, vector<16xf32>,
          tpu.vector_store %arg24[%parallel_loop3A_387, %parallel_loop3A_388], %parallel_loop3A_386 {strides = array<i32>} : memref<8x768xf32, #tpu.memory_space<vmem>>, vector<16xf32>,
          %parallel_loop3A_390 = arith.addf %parallel_loop3A_337, %parallel_loop3A_386 : vector<16xf32>
          %parallel_loop3A_391 = arith.mulf %parallel_loop3A_386, %parallel_loop3A_386 : vector<16xf32>
          %parallel_loop3A_392 = arith.addf %parallel_loop3A_338, %parallel_loop3A_391 : vector<16xf32>
          scf.yield %parallel_loop3A_390, %parallel_loop3A_392 : vector<16xf32>, vector<16xf32>
        } {sc.loop_unroll_factor = 8 : i64, sc.parallel_access}
        %reduce_sum3A = arith.constant true
        %reduce_sum3A_277 = vector.broadcast %reduce_sum3A : i1 to vector<16xi1>
        %reduce_sum3A_278 = tpu.scan <sum>, %parallel_loop3A_276#0 masked %reduce_sum3A_277 : vector<16xf32>, vector<16xi1> -> vector<16xf32>
        %reduce_sum3A_279 = vector.extract %reduce_sum3A_278[15] : f32 from vector<16xf32>
        %broadcast_in_dim3A_280 = vector.broadcast %reduce_sum3A_279 : f32 to vector<16xf32>
        %mul3A_281 = arith.constant 0.00130208337 : f32
        %mul3A_282 = vector.broadcast %mul3A_281 : f32 to vector<16xf32>
        %mul3A_283 = arith.mulf %broadcast_in_dim3A_280, %mul3A_282 : vector<16xf32>
        %reduce_sum3A_284 = arith.constant true
        %reduce_sum3A_285 = vector.broadcast %reduce_sum3A_284 : i1 to vector<16xi1>
        %reduce_sum3A_286 = tpu.scan <sum>, %parallel_loop3A_276#1 masked %reduce_sum3A_285 : vector<16xf32>, vector<16xi1> -> vector<16xf32>
        %reduce_sum3A_287 = vector.extract %reduce_sum3A_286[15] : f32 from vector<16xf32>
        %broadcast_in_dim3A_288 = vector.broadcast %reduce_sum3A_287 : f32 to vector<16xf32>
        %mul3A_289 = arith.constant 0.00130208337 : f32
        %mul3A_290 = vector.broadcast %mul3A_289 : f32 to vector<16xf32>
        %mul3A_291 = arith.mulf %broadcast_in_dim3A_288, %mul3A_290 : vector<16xf32>
        %mul3A_292 = arith.mulf %mul3A_283, %mul3A_283 : vector<16xf32>
        %sub3A_293 = arith.subf %mul3A_291, %mul3A_292 : vector<16xf32>
        %add3A_294 = arith.constant 9.99999974E-6 : f32
        %add3A_295 = vector.broadcast %add3A_294 : f32 to vector<16xf32>
        %add3A_296 = arith.addf %sub3A_293, %add3A_295 : vector<16xf32>
        %bitcast3A = vector.bitcast %add3A_296 : vector<16xf32> to vector<16xi32>
        %shift_right_arithmetic3A = arith.constant 1 : i32
        %shift_right_arithmetic3A_297 = vector.broadcast %shift_right_arithmetic3A : i32 to vector<16xi32>
        %shift_right_arithmetic3A_298 = arith.shrsi %bitcast3A, %shift_right_arithmetic3A_297 : vector<16xi32>
        %sub3A_299 = arith.constant 1597463007 : i32
        %sub3A_300 = vector.broadcast %sub3A_299 : i32 to vector<16xi32>
        %sub3A_301 = arith.subi %sub3A_300, %shift_right_arithmetic3A_298 : vector<16xi32>
        %bitcast3A_302 = vector.bitcast %sub3A_301 : vector<16xi32> to vector<16xf32>
        %mul3A_303 = arith.constant 5.000000e-01 : f32
        %mul3A_304 = vector.broadcast %mul3A_303 : f32 to vector<16xf32>
        %mul3A_305 = arith.mulf %mul3A_304, %add3A_296 : vector<16xf32>
        %mul3A_306 = arith.mulf %mul3A_305, %bitcast3A_302 : vector<16xf32>
        %mul3A_307 = arith.mulf %mul3A_306, %bitcast3A_302 : vector<16xf32>
        %sub3A_308 = arith.constant 1.500000e+00 : f32
        %sub3A_309 = vector.broadcast %sub3A_308 : f32 to vector<16xf32>
        %sub3A_310 = arith.subf %sub3A_309, %mul3A_307 : vector<16xf32>
        %mul3A_311 = arith.mulf %bitcast3A_302, %sub3A_310 : vector<16xf32>
        %mul3A_312 = arith.constant 5.000000e-01 : f32
        %mul3A_313 = vector.broadcast %mul3A_312 : f32 to vector<16xf32>
        %mul3A_314 = arith.mulf %mul3A_313, %add3A_296 : vector<16xf32>
        %mul3A_315 = arith.mulf %mul3A_314, %mul3A_311 : vector<16xf32>
        %mul3A_316 = arith.mulf %mul3A_315, %mul3A_311 : vector<16xf32>
        %sub3A_317 = arith.constant 1.500000e+00 : f32
        %sub3A_318 = vector.broadcast %sub3A_317 : f32 to vector<16xf32>
        %sub3A_319 = arith.subf %sub3A_318, %mul3A_316 : vector<16xf32>
        %mul3A_320 = arith.mulf %mul3A_311, %sub3A_319 : vector<16xf32>
        %mul3A_321 = arith.constant 5.000000e-01 : f32
        %mul3A_322 = vector.broadcast %mul3A_321 : f32 to vector<16xf32>
        %mul3A_323 = arith.mulf %mul3A_322, %add3A_296 : vector<16xf32>
        %mul3A_324 = arith.mulf %mul3A_323, %mul3A_320 : vector<16xf32>
        %mul3A_325 = arith.mulf %mul3A_324, %mul3A_320 : vector<16xf32>
        %sub3A_326 = arith.constant 1.500000e+00 : f32
        %sub3A_327 = vector.broadcast %sub3A_326 : f32 to vector<16xf32>
        %sub3A_328 = arith.subf %sub3A_327, %mul3A_325 : vector<16xf32>
        %mul3A_329 = arith.mulf %mul3A_320, %sub3A_328 : vector<16xf32>
        %neg3A = arith.constant 0.000000e+00 : f32
        %neg3A_330 = vector.broadcast %neg3A : f32 to vector<16xf32>
        %neg3A_331 = arith.subf %neg3A_330, %mul3A_283 : vector<16xf32>
        %mul3A_332 = arith.mulf %neg3A_331, %mul3A_329 : vector<16xf32>
        %parallel_loop3A_333 = arith.constant 0 : i32
        %parallel_loop3A_334 = arith.constant 48 : i32
        %parallel_loop3A_335 = arith.constant 1 : i32
        scf.for %parallel_loop3A_336 = %parallel_loop3A_333 to %parallel_loop3A_334 step %parallel_loop3A_335  : i32 {
          %parallel_loop3A_337 = arith.constant 16 : i32
          %parallel_loop3A_338 = arith.muli %parallel_loop3A_336, %parallel_loop3A_337 : i32
          %parallel_loop3A_339 = arith.index_cast %scan3A_267 : i32 to index
          %parallel_loop3A_340 = arith.index_cast %parallel_loop3A_338 : i32 to index
          %parallel_loop3A_341 = tpu.vector_load %arg24[%parallel_loop3A_339, %parallel_loop3A_340] {strides = array<i32>} : memref<8x768xf32, #tpu.memory_space<vmem>>, vector<16xf32>,
          %parallel_loop3A_342 = arith.mulf %parallel_loop3A_341, %mul3A_329 : vector<16xf32>
          %parallel_loop3A_343 = arith.addf %parallel_loop3A_342, %mul3A_332 : vector<16xf32>
          %parallel_loop3A_344 = arith.index_cast %parallel_loop3A_338 : i32 to index
          %parallel_loop3A_345 = tpu.vector_load %arg37[%parallel_loop3A_344] {strides = array<i32>} : memref<768xf32, #tpu.memory_space<vmem>>, vector<16xf32>,
          %parallel_loop3A_346 = arith.mulf %parallel_loop3A_343, %parallel_loop3A_345 : vector<16xf32>
          %parallel_loop3A_347 = arith.index_cast %parallel_loop3A_338 : i32 to index
          %parallel_loop3A_348 = tpu.vector_load %arg38[%parallel_loop3A_347] {strides = array<i32>} : memref<768xf32, #tpu.memory_space<vmem>>, vector<16xf32>,
          %parallel_loop3A_349 = arith.addf %parallel_loop3A_346, %parallel_loop3A_348 : vector<16xf32>
          %parallel_loop3A_350 = arith.index_cast %scan3A_267 : i32 to index
          %parallel_loop3A_351 = arith.index_cast %parallel_loop3A_338 : i32 to index
          %parallel_loop3A_352 = tpu.vector_load %arg24[%parallel_loop3A_350, %parallel_loop3A_351] {strides = array<i32>} : memref<8x768xf32, #tpu.memory_space<vmem>>, vector<16xf32>,
          tpu.vector_store %arg24[%parallel_loop3A_350, %parallel_loop3A_351], %parallel_loop3A_349 {strides = array<i32>} : memref<8x768xf32, #tpu.memory_space<vmem>>, vector<16xf32>,
        } {sc.loop_unroll_factor = 8 : i64, sc.parallel_access}
      }
      %scan3A_202 = arith.constant 8 : i32
      %mul3A_203 = arith.constant 8 : i32
      %mul3A_204 = arith.muli %mul3A_91, %mul3A_203 : i32
      %add3A_205 = arith.addi %multiple_of3A, %mul3A_204 : i32
      %multiple_of3A_206 = tpu.assume_multiple %add3A_205, 8 : i32
      %dma_start3A_207 = arith.constant 0 : i32
      %dma_start3A_208 = tpu.memref_slice %arg13[%multiple_of3A_206, %dma_start3A_207] : memref<32768x768xf32, #tpu.memory_space<hbm>> -> memref<8x768xf32, #tpu.memory_space<hbm>>
      %dma_start3A_209 = arith.constant 0 : i32
      %dma_start3A_210 = tpu.memref_slice %arg13[%multiple_of3A_206, %dma_start3A_209] : memref<32768x768xf32, #tpu.memory_space<hbm>> -> memref<8x768xf32, #tpu.memory_space<hbm>>
      tpu.enqueue_dma source(%arg24 : memref<8x768xf32, #tpu.memory_space<vmem>>) target(%dma_start3A_210 : memref<8x768xf32, #tpu.memory_space<hbm>>) target_semaphore(%arg41 : memref<!tpu.dma_semaphore, #tpu.memory_space<semaphore_mem>>)
      %lt3A_211 = arith.constant 63 : i32
      %lt3A_212 = arith.cmpi slt, %scan3A_89, %lt3A_211 : i32
      %convert_element_type3A_213 = arith.extui %lt3A_212 : i1 to i32
      %cond3A_214 = arith.constant 0 : i32
      %cond3A_215 = arith.cmpi ne, %convert_element_type3A_213, %cond3A_214 : i32
      scf.if %cond3A_215 {
        %add3A_267 = arith.constant 2 : i32
        %add3A_268 = arith.addi %mul3A_91, %add3A_267 : i32
        %mul3A_269 = arith.constant 8 : i32
        %mul3A_270 = arith.muli %add3A_268, %mul3A_269 : i32
        %multiple_of3A_271 = tpu.assume_multiple %mul3A_270, 8 : i32
        %add3A_272 = vector.broadcast %multiple_of3A_271 : i32 to vector<16xi32>
        %add3A_273 = arith.addi %add3A_272, %and3A_12 : vector<16xi32>
        %mul3A_274 = arith.constant 4 : i32
        %mul3A_275 = vector.broadcast %mul3A_274 : i32 to vector<16xi32>
        %mul3A_276 = arith.muli %add3A_273, %mul3A_275 : vector<16xi32>
        %jit3A_277 = arith.constant 0 : i32
        %jit3A_278 = arith.constant 2 : i32
        %broadcast_in_dim3A_279 = vector.broadcast %jit3A_277 : i32 to vector<16xi32>
        %broadcast_in_dim3A_280 = vector.broadcast %jit3A_278 : i32 to vector<16xi32>
        %select_n3A_281 = arith.select %lt3A_14, %broadcast_in_dim3A_279, %broadcast_in_dim3A_280 : vector<16xi1>, vector<16xi32>
        %add3A_282 = arith.addi %mul3A_276, %select_n3A_281 : vector<16xi32>
        %gather3A_283 = tpu.vector_load_idx %arg27[%add3A_282] : memref<4096xi32, #tpu.memory_space<vmem>>[vector<16xi32>], vector<16xi32>,
        %swap3A_284 = arith.constant 0 : index
        %swap3A_285 = tpu.vector_load %arg29[%swap3A_284] {strides = array<i32>} : memref<16xi32, #tpu.memory_space<vmem>>, vector<16xi32>,
        tpu.vector_store %arg29[%swap3A_284], %gather3A_283 {strides = array<i32>} : memref<16xi32, #tpu.memory_space<vmem>>, vector<16xi32>,
        %jit3A_286 = arith.constant 1 : i32
        %jit3A_287 = arith.constant 3 : i32
        %broadcast_in_dim3A_288 = vector.broadcast %jit3A_286 : i32 to vector<16xi32>
        %broadcast_in_dim3A_289 = vector.broadcast %jit3A_287 : i32 to vector<16xi32>
        %select_n3A_290 = arith.select %lt3A_14, %broadcast_in_dim3A_288, %broadcast_in_dim3A_289 : vector<16xi1>, vector<16xi32>
        %add3A_291 = arith.addi %mul3A_276, %select_n3A_290 : vector<16xi32>
        %gather3A_292 = tpu.vector_load_idx %arg27[%add3A_291] : memref<4096xi32, #tpu.memory_space<vmem>>[vector<16xi32>], vector<16xi32>,
        %swap3A_293 = arith.constant 0 : index
        %swap3A_294 = tpu.vector_load %arg31[%swap3A_293] {strides = array<i32>} : memref<16xi32, #tpu.memory_space<vmem>>, vector<16xi32>,
        tpu.vector_store %arg31[%swap3A_293], %gather3A_292 {strides = array<i32>} : memref<16xi32, #tpu.memory_space<vmem>>, vector<16xi32>,
        %jit3A_295 = arith.constant 3 : i32
        %jit3A_296 = arith.constant 2 : i32
        %broadcast_in_dim3A_297 = vector.broadcast %jit3A_295 : i32 to vector<16xi32>
        %broadcast_in_dim3A_298 = vector.broadcast %jit3A_296 : i32 to vector<16xi32>
        %select_n3A_299 = arith.select %lt3A_14, %broadcast_in_dim3A_297, %broadcast_in_dim3A_298 : vector<16xi1>, vector<16xi32>
        %add3A_300 = arith.addi %mul3A_276, %select_n3A_299 : vector<16xi32>
        %gather3A_301 = tpu.vector_load_idx %arg27[%add3A_300] : memref<4096xi32, #tpu.memory_space<vmem>>[vector<16xi32>], vector<16xi32>,
        %jit3A_302 = arith.constant 1 : i32
        %jit3A_303 = arith.constant 0 : i32
        %broadcast_in_dim3A_304 = vector.broadcast %jit3A_302 : i32 to vector<16xi32>
        %broadcast_in_dim3A_305 = vector.broadcast %jit3A_303 : i32 to vector<16xi32>
        %select_n3A_306 = arith.select %lt3A_14, %broadcast_in_dim3A_304, %broadcast_in_dim3A_305 : vector<16xi1>, vector<16xi32>
        %add3A_307 = arith.addi %mul3A_276, %select_n3A_306 : vector<16xi32>
        %gather3A_308 = tpu.vector_load_idx %arg27[%add3A_307] : memref<4096xi32, #tpu.memory_space<vmem>>[vector<16xi32>], vector<16xi32>,
        %sub3A_309 = arith.subi %gather3A_301, %gather3A_308 : vector<16xi32>
        %jit3A_310 = arith.constant 0 : i32
        %jit3A_311 = arith.constant 1024 : i32
        %broadcast_in_dim3A_312 = vector.broadcast %jit3A_310 : i32 to vector<16xi32>
        %broadcast_in_dim3A_313 = vector.broadcast %jit3A_311 : i32 to vector<16xi32>
        %select_n3A_314 = arith.select %lt3A_14, %broadcast_in_dim3A_312, %broadcast_in_dim3A_313 : vector<16xi1>, vector<16xi32>
        %add3A_315 = arith.addi %sub3A_309, %select_n3A_314 : vector<16xi32>
        %swap3A_316 = arith.constant 0 : index
        %swap3A_317 = tpu.vector_load %arg33[%swap3A_316] {strides = array<i32>} : memref<16xi32, #tpu.memory_space<vmem>>, vector<16xi32>,
        tpu.vector_store %arg33[%swap3A_316], %add3A_315 {strides = array<i32>} : memref<16xi32, #tpu.memory_space<vmem>>, vector<16xi32>,
        %dma_start3A_318 = tpu.memref_slice %arg26[%multiple_of3A_271] : memref<1024xi32, #tpu.memory_space<vmem>> -> memref<8xi32, #tpu.memory_space<vmem>>
        %dma_start3A_319 = arith.constant 0 : i32
        %dma_start3A_320 = arith.constant 0 : i32
        %dma_start3A_321 = tpu.memref_slice %arg2[%dma_start3A_319, %dma_start3A_320] : memref<30522x768xf32, #tpu.memory_space<hbm>> -> memref<30522x768xf32, #tpu.memory_space<hbm>>
        tpu.enqueue_indirect_dma source(%dma_start3A_321 : memref<30522x768xf32, #tpu.memory_space<hbm>>) target(%arg14 : memref<8x768xf32, #tpu.memory_space<vmem>>) offsets(%dma_start3A_318 : memref<8xi32, #tpu.memory_space<vmem>>) semaphore(%arg39 : memref<!tpu.dma_semaphore, #tpu.memory_space<semaphore_mem>>)
        %dma_start3A_322 = arith.constant 0 : i32
        %dma_start3A_323 = arith.constant 0 : i32
        %dma_start3A_324 = tpu.memref_slice %arg3[%dma_start3A_322, %dma_start3A_323] : memref<1024x768xf32, #tpu.memory_space<hbm>> -> memref<1024x768xf32, #tpu.memory_space<hbm>>
        tpu.enqueue_indirect_dma source(%dma_start3A_324 : memref<1024x768xf32, #tpu.memory_space<hbm>>) target(%arg16 : memref<16x768xf32, #tpu.memory_space<vmem>>) offsets(%arg29 : memref<16xi32, #tpu.memory_space<vmem>>) semaphore(%arg39 : memref<!tpu.dma_semaphore, #tpu.memory_space<semaphore_mem>>)
        %dma_start3A_325 = arith.constant 0 : i32
        %dma_start3A_326 = arith.constant 0 : i32
        %dma_start3A_327 = tpu.memref_slice %arg4[%dma_start3A_325, %dma_start3A_326] : memref<1024x768xf32, #tpu.memory_space<hbm>> -> memref<1024x768xf32, #tpu.memory_space<hbm>>
        tpu.enqueue_indirect_dma source(%dma_start3A_327 : memref<1024x768xf32, #tpu.memory_space<hbm>>) target(%arg18 : memref<16x768xf32, #tpu.memory_space<vmem>>) offsets(%arg31 : memref<16xi32, #tpu.memory_space<vmem>>) semaphore(%arg39 : memref<!tpu.dma_semaphore, #tpu.memory_space<semaphore_mem>>)
        %dma_start3A_328 = arith.constant 0 : i32
        %dma_start3A_329 = arith.constant 0 : i32
        %dma_start3A_330 = tpu.memref_slice %arg5[%dma_start3A_328, %dma_start3A_329] : memref<2048x768xf32, #tpu.memory_space<hbm>> -> memref<2048x768xf32, #tpu.memory_space<hbm>>
        tpu.enqueue_indirect_dma source(%dma_start3A_330 : memref<2048x768xf32, #tpu.memory_space<hbm>>) target(%arg20 : memref<16x768xf32, #tpu.memory_space<vmem>>) offsets(%arg33 : memref<16xi32, #tpu.memory_space<vmem>>) semaphore(%arg39 : memref<!tpu.dma_semaphore, #tpu.memory_space<semaphore_mem>>)
        %and3A_331 = arith.constant 511 : i32
        %and3A_332 = arith.andi %multiple_of3A_271, %and3A_331 : i32
        %multiple_of3A_333 = tpu.assume_multiple %and3A_332, 8 : i32
        %dma_start3A_334 = arith.constant 0 : i32
        %dma_start3A_335 = tpu.memref_slice %arg7[%multiple_of3A_333, %dma_start3A_334] : memref<512x768xf32, #tpu.memory_space<hbm>> -> memref<8x768xf32, #tpu.memory_space<hbm>>
        %dma_start3A_336 = arith.constant 0 : i32
        %dma_start3A_337 = tpu.memref_slice %arg7[%multiple_of3A_333, %dma_start3A_336] : memref<512x768xf32, #tpu.memory_space<hbm>> -> memref<8x768xf32, #tpu.memory_space<hbm>>
        tpu.enqueue_dma source(%dma_start3A_337 : memref<8x768xf32, #tpu.memory_space<hbm>>) target(%arg22 : memref<8x768xf32, #tpu.memory_space<vmem>>) target_semaphore(%arg39 : memref<!tpu.dma_semaphore, #tpu.memory_space<semaphore_mem>>)
      } else {
      }
      %dma_wait3A_216 = arith.constant 0 : i32
      %dma_wait3A_217 = arith.constant 0 : i32
      %dma_wait3A_218 = tpu.memref_slice %arg2[%dma_wait3A_216, %dma_wait3A_217] : memref<30522x768xf32, #tpu.memory_space<hbm>> -> memref<8x768xf32, #tpu.memory_space<hbm>>
      %dma_wait3A_219 = arith.constant 0 : i32
      %dma_wait3A_220 = arith.constant 0 : i32
      %dma_wait3A_221 = tpu.memref_slice %arg2[%dma_wait3A_219, %dma_wait3A_220] : memref<30522x768xf32, #tpu.memory_space<hbm>> -> memref<8x768xf32, #tpu.memory_space<hbm>>
      tpu.wait_dma2 semaphore(%arg40 : memref<!tpu.dma_semaphore, #tpu.memory_space<semaphore_mem>>) src(%dma_wait3A_221 : memref<8x768xf32, #tpu.memory_space<hbm>>) dst(%arg15 : memref<8x768xf32, #tpu.memory_space<vmem>>)
      %dma_wait3A_222 = arith.constant 0 : i32
      %dma_wait3A_223 = arith.constant 0 : i32
      %dma_wait3A_224 = tpu.memref_slice %arg3[%dma_wait3A_222, %dma_wait3A_223] : memref<1024x768xf32, #tpu.memory_space<hbm>> -> memref<16x768xf32, #tpu.memory_space<hbm>>
      %dma_wait3A_225 = arith.constant 0 : i32
      %dma_wait3A_226 = arith.constant 0 : i32
      %dma_wait3A_227 = tpu.memref_slice %arg3[%dma_wait3A_225, %dma_wait3A_226] : memref<1024x768xf32, #tpu.memory_space<hbm>> -> memref<16x768xf32, #tpu.memory_space<hbm>>
      tpu.wait_dma2 semaphore(%arg40 : memref<!tpu.dma_semaphore, #tpu.memory_space<semaphore_mem>>) src(%dma_wait3A_227 : memref<16x768xf32, #tpu.memory_space<hbm>>) dst(%arg17 : memref<16x768xf32, #tpu.memory_space<vmem>>)
      %dma_wait3A_228 = arith.constant 0 : i32
      %dma_wait3A_229 = arith.constant 0 : i32
      %dma_wait3A_230 = tpu.memref_slice %arg4[%dma_wait3A_228, %dma_wait3A_229] : memref<1024x768xf32, #tpu.memory_space<hbm>> -> memref<16x768xf32, #tpu.memory_space<hbm>>
      %dma_wait3A_231 = arith.constant 0 : i32
      %dma_wait3A_232 = arith.constant 0 : i32
      %dma_wait3A_233 = tpu.memref_slice %arg4[%dma_wait3A_231, %dma_wait3A_232] : memref<1024x768xf32, #tpu.memory_space<hbm>> -> memref<16x768xf32, #tpu.memory_space<hbm>>
      tpu.wait_dma2 semaphore(%arg40 : memref<!tpu.dma_semaphore, #tpu.memory_space<semaphore_mem>>) src(%dma_wait3A_233 : memref<16x768xf32, #tpu.memory_space<hbm>>) dst(%arg19 : memref<16x768xf32, #tpu.memory_space<vmem>>)
      %dma_wait3A_234 = arith.constant 0 : i32
      %dma_wait3A_235 = arith.constant 0 : i32
      %dma_wait3A_236 = tpu.memref_slice %arg5[%dma_wait3A_234, %dma_wait3A_235] : memref<2048x768xf32, #tpu.memory_space<hbm>> -> memref<16x768xf32, #tpu.memory_space<hbm>>
      %dma_wait3A_237 = arith.constant 0 : i32
      %dma_wait3A_238 = arith.constant 0 : i32
      %dma_wait3A_239 = tpu.memref_slice %arg5[%dma_wait3A_237, %dma_wait3A_238] : memref<2048x768xf32, #tpu.memory_space<hbm>> -> memref<16x768xf32, #tpu.memory_space<hbm>>
      tpu.wait_dma2 semaphore(%arg40 : memref<!tpu.dma_semaphore, #tpu.memory_space<semaphore_mem>>) src(%dma_wait3A_239 : memref<16x768xf32, #tpu.memory_space<hbm>>) dst(%arg21 : memref<16x768xf32, #tpu.memory_space<vmem>>)
      %dma_wait3A_240 = arith.constant 0 : i32
      %dma_wait3A_241 = arith.constant 0 : i32
      %dma_wait3A_242 = tpu.memref_slice %arg7[%dma_wait3A_240, %dma_wait3A_241] : memref<512x768xf32, #tpu.memory_space<hbm>> -> memref<8x768xf32, #tpu.memory_space<hbm>>
      %dma_wait3A_243 = arith.constant 0 : i32
      %dma_wait3A_244 = arith.constant 0 : i32
      %dma_wait3A_245 = tpu.memref_slice %arg7[%dma_wait3A_243, %dma_wait3A_244] : memref<512x768xf32, #tpu.memory_space<hbm>> -> memref<8x768xf32, #tpu.memory_space<hbm>>
      tpu.wait_dma2 semaphore(%arg40 : memref<!tpu.dma_semaphore, #tpu.memory_space<semaphore_mem>>) src(%dma_wait3A_245 : memref<8x768xf32, #tpu.memory_space<hbm>>) dst(%arg23 : memref<8x768xf32, #tpu.memory_space<vmem>>)
      %gt3A_246 = arith.constant 0 : i32
      %gt3A_247 = arith.cmpi sgt, %scan3A_89, %gt3A_246 : i32
      %convert_element_type3A_248 = arith.extui %gt3A_247 : i1 to i32
      %cond3A_249 = arith.constant 0 : i32
      %cond3A_250 = arith.cmpi ne, %convert_element_type3A_248, %cond3A_249 : i32
      scf.if %cond3A_250 {
        %dma_wait3A_267 = arith.constant 0 : i32
        %dma_wait3A_268 = tpu.memref_slice %arg13[%multiple_of3A, %dma_wait3A_267] : memref<32768x768xf32, #tpu.memory_space<hbm>> -> memref<8x768xf32, #tpu.memory_space<hbm>>
        %dma_wait3A_269 = arith.constant 0 : i32
        %dma_wait3A_270 = tpu.memref_slice %arg13[%multiple_of3A, %dma_wait3A_269] : memref<32768x768xf32, #tpu.memory_space<hbm>> -> memref<8x768xf32, #tpu.memory_space<hbm>>
        tpu.wait_dma2 semaphore(%arg42 : memref<!tpu.dma_semaphore, #tpu.memory_space<semaphore_mem>>) src(%arg25 : memref<8x768xf32, #tpu.memory_space<vmem>>) dst(%dma_wait3A_270 : memref<8x768xf32, #tpu.memory_space<hbm>>)
      } else {
      }
      %mul3A_251 = arith.constant 8 : i32
      %mul3A_252 = arith.muli %add3A_93, %mul3A_251 : i32
      %scan3A_253 = arith.constant 0 : i32
      %scan3A_254 = arith.constant 0 : i32
      %scan3A_255 = arith.constant 8 : i32
      %scan3A_256 = arith.addi %scan3A_254, %scan3A_255 : i32
      %scan3A_257 = arith.constant 1 : i32
      scf.for %scan3A_267 = %scan3A_254 to %scan3A_256 step %scan3A_257  : i32 {
        %add3A_268 = arith.addi %mul3A_252, %scan3A_267 : i32
        %broadcast_in_dim3A_269 = vector.broadcast %add3A_268 : i32 to vector<16xi32>
        %gather3A_270 = tpu.vector_load_idx %arg28[%broadcast_in_dim3A_269] : memref<1024xi32, #tpu.memory_space<vmem>>[vector<16xi32>], vector<16xi32>,
        %convert_element_type3A_271 = arith.sitofp %gather3A_270 : vector<16xi32> to vector<16xf32>
        %broadcast_in_dim3A_272 = arith.constant 0.000000e+00 : f32
        %broadcast_in_dim3A_273 = vector.broadcast %broadcast_in_dim3A_272 : f32 to vector<16xf32>
        %parallel_loop3A = arith.constant 0 : i32
        %parallel_loop3A_274 = arith.constant 48 : i32
        %parallel_loop3A_275 = arith.constant 1 : i32
        %parallel_loop3A_276:2 = scf.for %parallel_loop3A_336 = %parallel_loop3A to %parallel_loop3A_274 step %parallel_loop3A_275 iter_args(%parallel_loop3A_337 = %broadcast_in_dim3A_273, %parallel_loop3A_338 = %broadcast_in_dim3A_273) -> (vector<16xf32>, vector<16xf32>)  : i32 {
          %parallel_loop3A_339 = arith.constant 16 : i32
          %parallel_loop3A_340 = arith.muli %parallel_loop3A_336, %parallel_loop3A_339 : i32
          %parallel_loop3A_341 = arith.index_cast %scan3A_267 : i32 to index
          %parallel_loop3A_342 = arith.index_cast %parallel_loop3A_340 : i32 to index
          %parallel_loop3A_343 = tpu.vector_load %arg23[%parallel_loop3A_341, %parallel_loop3A_342] {strides = array<i32>} : memref<8x768xf32, #tpu.memory_space<vmem>>, vector<16xf32>,
          %parallel_loop3A_344 = arith.constant 0 : i32
          %parallel_loop3A_345 = arith.index_cast %parallel_loop3A_344 : i32 to index
          %parallel_loop3A_346 = arith.index_cast %parallel_loop3A_340 : i32 to index
          %parallel_loop3A_347 = tpu.vector_load %arg35[%parallel_loop3A_345, %parallel_loop3A_346] {strides = array<i32>} : memref<2x768xf32, #tpu.memory_space<vmem>>, vector<16xf32>,
          %parallel_loop3A_348 = arith.addf %parallel_loop3A_343, %parallel_loop3A_347 : vector<16xf32>
          %parallel_loop3A_349 = arith.index_cast %parallel_loop3A_340 : i32 to index
          %parallel_loop3A_350 = tpu.vector_load %arg36[%parallel_loop3A_349] {strides = array<i32>} : memref<768xf32, #tpu.memory_space<vmem>>, vector<16xf32>,
          %parallel_loop3A_351 = arith.mulf %convert_element_type3A_271, %parallel_loop3A_350 : vector<16xf32>
          %parallel_loop3A_352 = arith.addf %parallel_loop3A_348, %parallel_loop3A_351 : vector<16xf32>
          %parallel_loop3A_353 = arith.index_cast %scan3A_267 : i32 to index
          %parallel_loop3A_354 = arith.index_cast %parallel_loop3A_340 : i32 to index
          %parallel_loop3A_355 = tpu.vector_load %arg15[%parallel_loop3A_353, %parallel_loop3A_354] {strides = array<i32>} : memref<8x768xf32, #tpu.memory_space<vmem>>, vector<16xf32>,
          %parallel_loop3A_356 = arith.addf %parallel_loop3A_352, %parallel_loop3A_355 : vector<16xf32>
          %parallel_loop3A_357 = arith.index_cast %scan3A_267 : i32 to index
          %parallel_loop3A_358 = arith.index_cast %parallel_loop3A_340 : i32 to index
          %parallel_loop3A_359 = tpu.vector_load %arg17[%parallel_loop3A_357, %parallel_loop3A_358] {strides = array<i32>} : memref<16x768xf32, #tpu.memory_space<vmem>>, vector<16xf32>,
          %parallel_loop3A_360 = arith.addf %parallel_loop3A_356, %parallel_loop3A_359 : vector<16xf32>
          %parallel_loop3A_361 = arith.constant 8 : i32
          %parallel_loop3A_362 = arith.addi %scan3A_267, %parallel_loop3A_361 : i32
          %parallel_loop3A_363 = arith.index_cast %parallel_loop3A_362 : i32 to index
          %parallel_loop3A_364 = arith.index_cast %parallel_loop3A_340 : i32 to index
          %parallel_loop3A_365 = tpu.vector_load %arg17[%parallel_loop3A_363, %parallel_loop3A_364] {strides = array<i32>} : memref<16x768xf32, #tpu.memory_space<vmem>>, vector<16xf32>,
          %parallel_loop3A_366 = arith.addf %parallel_loop3A_360, %parallel_loop3A_365 : vector<16xf32>
          %parallel_loop3A_367 = arith.index_cast %scan3A_267 : i32 to index
          %parallel_loop3A_368 = arith.index_cast %parallel_loop3A_340 : i32 to index
          %parallel_loop3A_369 = tpu.vector_load %arg19[%parallel_loop3A_367, %parallel_loop3A_368] {strides = array<i32>} : memref<16x768xf32, #tpu.memory_space<vmem>>, vector<16xf32>,
          %parallel_loop3A_370 = arith.addf %parallel_loop3A_366, %parallel_loop3A_369 : vector<16xf32>
          %parallel_loop3A_371 = arith.constant 8 : i32
          %parallel_loop3A_372 = arith.addi %scan3A_267, %parallel_loop3A_371 : i32
          %parallel_loop3A_373 = arith.index_cast %parallel_loop3A_372 : i32 to index
          %parallel_loop3A_374 = arith.index_cast %parallel_loop3A_340 : i32 to index
          %parallel_loop3A_375 = tpu.vector_load %arg19[%parallel_loop3A_373, %parallel_loop3A_374] {strides = array<i32>} : memref<16x768xf32, #tpu.memory_space<vmem>>, vector<16xf32>,
          %parallel_loop3A_376 = arith.addf %parallel_loop3A_370, %parallel_loop3A_375 : vector<16xf32>
          %parallel_loop3A_377 = arith.index_cast %scan3A_267 : i32 to index
          %parallel_loop3A_378 = arith.index_cast %parallel_loop3A_340 : i32 to index
          %parallel_loop3A_379 = tpu.vector_load %arg21[%parallel_loop3A_377, %parallel_loop3A_378] {strides = array<i32>} : memref<16x768xf32, #tpu.memory_space<vmem>>, vector<16xf32>,
          %parallel_loop3A_380 = arith.addf %parallel_loop3A_376, %parallel_loop3A_379 : vector<16xf32>
          %parallel_loop3A_381 = arith.constant 8 : i32
          %parallel_loop3A_382 = arith.addi %scan3A_267, %parallel_loop3A_381 : i32
          %parallel_loop3A_383 = arith.index_cast %parallel_loop3A_382 : i32 to index
          %parallel_loop3A_384 = arith.index_cast %parallel_loop3A_340 : i32 to index
          %parallel_loop3A_385 = tpu.vector_load %arg21[%parallel_loop3A_383, %parallel_loop3A_384] {strides = array<i32>} : memref<16x768xf32, #tpu.memory_space<vmem>>, vector<16xf32>,
          %parallel_loop3A_386 = arith.addf %parallel_loop3A_380, %parallel_loop3A_385 : vector<16xf32>
          %parallel_loop3A_387 = arith.index_cast %scan3A_267 : i32 to index
          %parallel_loop3A_388 = arith.index_cast %parallel_loop3A_340 : i32 to index
          %parallel_loop3A_389 = tpu.vector_load %arg25[%parallel_loop3A_387, %parallel_loop3A_388] {strides = array<i32>} : memref<8x768xf32, #tpu.memory_space<vmem>>, vector<16xf32>,
          tpu.vector_store %arg25[%parallel_loop3A_387, %parallel_loop3A_388], %parallel_loop3A_386 {strides = array<i32>} : memref<8x768xf32, #tpu.memory_space<vmem>>, vector<16xf32>,
          %parallel_loop3A_390 = arith.addf %parallel_loop3A_337, %parallel_loop3A_386 : vector<16xf32>
          %parallel_loop3A_391 = arith.mulf %parallel_loop3A_386, %parallel_loop3A_386 : vector<16xf32>
          %parallel_loop3A_392 = arith.addf %parallel_loop3A_338, %parallel_loop3A_391 : vector<16xf32>
          scf.yield %parallel_loop3A_390, %parallel_loop3A_392 : vector<16xf32>, vector<16xf32>
        } {sc.loop_unroll_factor = 8 : i64, sc.parallel_access}
        %reduce_sum3A = arith.constant true
        %reduce_sum3A_277 = vector.broadcast %reduce_sum3A : i1 to vector<16xi1>
        %reduce_sum3A_278 = tpu.scan <sum>, %parallel_loop3A_276#0 masked %reduce_sum3A_277 : vector<16xf32>, vector<16xi1> -> vector<16xf32>
        %reduce_sum3A_279 = vector.extract %reduce_sum3A_278[15] : f32 from vector<16xf32>
        %broadcast_in_dim3A_280 = vector.broadcast %reduce_sum3A_279 : f32 to vector<16xf32>
        %mul3A_281 = arith.constant 0.00130208337 : f32
        %mul3A_282 = vector.broadcast %mul3A_281 : f32 to vector<16xf32>
        %mul3A_283 = arith.mulf %broadcast_in_dim3A_280, %mul3A_282 : vector<16xf32>
        %reduce_sum3A_284 = arith.constant true
        %reduce_sum3A_285 = vector.broadcast %reduce_sum3A_284 : i1 to vector<16xi1>
        %reduce_sum3A_286 = tpu.scan <sum>, %parallel_loop3A_276#1 masked %reduce_sum3A_285 : vector<16xf32>, vector<16xi1> -> vector<16xf32>
        %reduce_sum3A_287 = vector.extract %reduce_sum3A_286[15] : f32 from vector<16xf32>
        %broadcast_in_dim3A_288 = vector.broadcast %reduce_sum3A_287 : f32 to vector<16xf32>
        %mul3A_289 = arith.constant 0.00130208337 : f32
        %mul3A_290 = vector.broadcast %mul3A_289 : f32 to vector<16xf32>
        %mul3A_291 = arith.mulf %broadcast_in_dim3A_288, %mul3A_290 : vector<16xf32>
        %mul3A_292 = arith.mulf %mul3A_283, %mul3A_283 : vector<16xf32>
        %sub3A_293 = arith.subf %mul3A_291, %mul3A_292 : vector<16xf32>
        %add3A_294 = arith.constant 9.99999974E-6 : f32
        %add3A_295 = vector.broadcast %add3A_294 : f32 to vector<16xf32>
        %add3A_296 = arith.addf %sub3A_293, %add3A_295 : vector<16xf32>
        %bitcast3A = vector.bitcast %add3A_296 : vector<16xf32> to vector<16xi32>
        %shift_right_arithmetic3A = arith.constant 1 : i32
        %shift_right_arithmetic3A_297 = vector.broadcast %shift_right_arithmetic3A : i32 to vector<16xi32>
        %shift_right_arithmetic3A_298 = arith.shrsi %bitcast3A, %shift_right_arithmetic3A_297 : vector<16xi32>
        %sub3A_299 = arith.constant 1597463007 : i32
        %sub3A_300 = vector.broadcast %sub3A_299 : i32 to vector<16xi32>
        %sub3A_301 = arith.subi %sub3A_300, %shift_right_arithmetic3A_298 : vector<16xi32>
        %bitcast3A_302 = vector.bitcast %sub3A_301 : vector<16xi32> to vector<16xf32>
        %mul3A_303 = arith.constant 5.000000e-01 : f32
        %mul3A_304 = vector.broadcast %mul3A_303 : f32 to vector<16xf32>
        %mul3A_305 = arith.mulf %mul3A_304, %add3A_296 : vector<16xf32>
        %mul3A_306 = arith.mulf %mul3A_305, %bitcast3A_302 : vector<16xf32>
        %mul3A_307 = arith.mulf %mul3A_306, %bitcast3A_302 : vector<16xf32>
        %sub3A_308 = arith.constant 1.500000e+00 : f32
        %sub3A_309 = vector.broadcast %sub3A_308 : f32 to vector<16xf32>
        %sub3A_310 = arith.subf %sub3A_309, %mul3A_307 : vector<16xf32>
        %mul3A_311 = arith.mulf %bitcast3A_302, %sub3A_310 : vector<16xf32>
        %mul3A_312 = arith.constant 5.000000e-01 : f32
        %mul3A_313 = vector.broadcast %mul3A_312 : f32 to vector<16xf32>
        %mul3A_314 = arith.mulf %mul3A_313, %add3A_296 : vector<16xf32>
        %mul3A_315 = arith.mulf %mul3A_314, %mul3A_311 : vector<16xf32>
        %mul3A_316 = arith.mulf %mul3A_315, %mul3A_311 : vector<16xf32>
        %sub3A_317 = arith.constant 1.500000e+00 : f32
        %sub3A_318 = vector.broadcast %sub3A_317 : f32 to vector<16xf32>
        %sub3A_319 = arith.subf %sub3A_318, %mul3A_316 : vector<16xf32>
        %mul3A_320 = arith.mulf %mul3A_311, %sub3A_319 : vector<16xf32>
        %mul3A_321 = arith.constant 5.000000e-01 : f32
        %mul3A_322 = vector.broadcast %mul3A_321 : f32 to vector<16xf32>
        %mul3A_323 = arith.mulf %mul3A_322, %add3A_296 : vector<16xf32>
        %mul3A_324 = arith.mulf %mul3A_323, %mul3A_320 : vector<16xf32>
        %mul3A_325 = arith.mulf %mul3A_324, %mul3A_320 : vector<16xf32>
        %sub3A_326 = arith.constant 1.500000e+00 : f32
        %sub3A_327 = vector.broadcast %sub3A_326 : f32 to vector<16xf32>
        %sub3A_328 = arith.subf %sub3A_327, %mul3A_325 : vector<16xf32>
        %mul3A_329 = arith.mulf %mul3A_320, %sub3A_328 : vector<16xf32>
        %neg3A = arith.constant 0.000000e+00 : f32
        %neg3A_330 = vector.broadcast %neg3A : f32 to vector<16xf32>
        %neg3A_331 = arith.subf %neg3A_330, %mul3A_283 : vector<16xf32>
        %mul3A_332 = arith.mulf %neg3A_331, %mul3A_329 : vector<16xf32>
        %parallel_loop3A_333 = arith.constant 0 : i32
        %parallel_loop3A_334 = arith.constant 48 : i32
        %parallel_loop3A_335 = arith.constant 1 : i32
        scf.for %parallel_loop3A_336 = %parallel_loop3A_333 to %parallel_loop3A_334 step %parallel_loop3A_335  : i32 {
          %parallel_loop3A_337 = arith.constant 16 : i32
          %parallel_loop3A_338 = arith.muli %parallel_loop3A_336, %parallel_loop3A_337 : i32
          %parallel_loop3A_339 = arith.index_cast %scan3A_267 : i32 to index
          %parallel_loop3A_340 = arith.index_cast %parallel_loop3A_338 : i32 to index
          %parallel_loop3A_341 = tpu.vector_load %arg25[%parallel_loop3A_339, %parallel_loop3A_340] {strides = array<i32>} : memref<8x768xf32, #tpu.memory_space<vmem>>, vector<16xf32>,
          %parallel_loop3A_342 = arith.mulf %parallel_loop3A_341, %mul3A_329 : vector<16xf32>
          %parallel_loop3A_343 = arith.addf %parallel_loop3A_342, %mul3A_332 : vector<16xf32>
          %parallel_loop3A_344 = arith.index_cast %parallel_loop3A_338 : i32 to index
          %parallel_loop3A_345 = tpu.vector_load %arg37[%parallel_loop3A_344] {strides = array<i32>} : memref<768xf32, #tpu.memory_space<vmem>>, vector<16xf32>,
          %parallel_loop3A_346 = arith.mulf %parallel_loop3A_343, %parallel_loop3A_345 : vector<16xf32>
          %parallel_loop3A_347 = arith.index_cast %parallel_loop3A_338 : i32 to index
          %parallel_loop3A_348 = tpu.vector_load %arg38[%parallel_loop3A_347] {strides = array<i32>} : memref<768xf32, #tpu.memory_space<vmem>>, vector<16xf32>,
          %parallel_loop3A_349 = arith.addf %parallel_loop3A_346, %parallel_loop3A_348 : vector<16xf32>
          %parallel_loop3A_350 = arith.index_cast %scan3A_267 : i32 to index
          %parallel_loop3A_351 = arith.index_cast %parallel_loop3A_338 : i32 to index
          %parallel_loop3A_352 = tpu.vector_load %arg25[%parallel_loop3A_350, %parallel_loop3A_351] {strides = array<i32>} : memref<8x768xf32, #tpu.memory_space<vmem>>, vector<16xf32>,
          tpu.vector_store %arg25[%parallel_loop3A_350, %parallel_loop3A_351], %parallel_loop3A_349 {strides = array<i32>} : memref<8x768xf32, #tpu.memory_space<vmem>>, vector<16xf32>,
        } {sc.loop_unroll_factor = 8 : i64, sc.parallel_access}
      }
      %scan3A_258 = arith.constant 8 : i32
      %mul3A_259 = arith.constant 8 : i32
      %mul3A_260 = arith.muli %add3A_93, %mul3A_259 : i32
      %add3A_261 = arith.addi %multiple_of3A, %mul3A_260 : i32
      %multiple_of3A_262 = tpu.assume_multiple %add3A_261, 8 : i32
      %dma_start3A_263 = arith.constant 0 : i32
      %dma_start3A_264 = tpu.memref_slice %arg13[%multiple_of3A_262, %dma_start3A_263] : memref<32768x768xf32, #tpu.memory_space<hbm>> -> memref<8x768xf32, #tpu.memory_space<hbm>>
      %dma_start3A_265 = arith.constant 0 : i32
      %dma_start3A_266 = tpu.memref_slice %arg13[%multiple_of3A_262, %dma_start3A_265] : memref<32768x768xf32, #tpu.memory_space<hbm>> -> memref<8x768xf32, #tpu.memory_space<hbm>>
      tpu.enqueue_dma source(%arg25 : memref<8x768xf32, #tpu.memory_space<vmem>>) target(%dma_start3A_266 : memref<8x768xf32, #tpu.memory_space<hbm>>) target_semaphore(%arg42 : memref<!tpu.dma_semaphore, #tpu.memory_space<semaphore_mem>>)
    }
    %scan3A_81 = arith.constant 64 : i32
    %dma_wait3A = arith.constant 0 : i32
    %dma_wait3A_82 = tpu.memref_slice %arg13[%multiple_of3A, %dma_wait3A] : memref<32768x768xf32, #tpu.memory_space<hbm>> -> memref<8x768xf32, #tpu.memory_space<hbm>>
    %dma_wait3A_83 = arith.constant 0 : i32
    %dma_wait3A_84 = tpu.memref_slice %arg13[%multiple_of3A, %dma_wait3A_83] : memref<32768x768xf32, #tpu.memory_space<hbm>> -> memref<8x768xf32, #tpu.memory_space<hbm>>
    tpu.wait_dma2 semaphore(%arg41 : memref<!tpu.dma_semaphore, #tpu.memory_space<semaphore_mem>>) src(%arg24 : memref<8x768xf32, #tpu.memory_space<vmem>>) dst(%dma_wait3A_84 : memref<8x768xf32, #tpu.memory_space<hbm>>)
    %dma_wait3A_85 = arith.constant 0 : i32
    %dma_wait3A_86 = tpu.memref_slice %arg13[%multiple_of3A, %dma_wait3A_85] : memref<32768x768xf32, #tpu.memory_space<hbm>> -> memref<8x768xf32, #tpu.memory_space<hbm>>
    %dma_wait3A_87 = arith.constant 0 : i32
    %dma_wait3A_88 = tpu.memref_slice %arg13[%multiple_of3A, %dma_wait3A_87] : memref<32768x768xf32, #tpu.memory_space<hbm>> -> memref<8x768xf32, #tpu.memory_space<hbm>>
    tpu.wait_dma2 semaphore(%arg42 : memref<!tpu.dma_semaphore, #tpu.memory_space<semaphore_mem>>) src(%arg25 : memref<8x768xf32, #tpu.memory_space<vmem>>) dst(%dma_wait3A_88 : memref<8x768xf32, #tpu.memory_space<hbm>>)
    return
  }
}

</mosaic_0001>

<sc_bundles>
// kernel: kernel.3.cloned.1.call-start
scs
__scs_entry_jumppad:
0x0: {  	(pc) =	sbr.rel $0x88, $3  }
0x1: {  	(tag) =	ssettag $0x0;
	lr =	simm.s32 $0x1  }
0x2: {  	[smem:$0x3F95] =	sst lr;
	_ =	strace $0xD0000000  }
0x3: {  	_ = 	snop  }
0x4: {  	_ = 	snop  }
0x5: {  	_ = 	snop  }
0x6: {  	_ = 	snop  }
0x7: {  	_ = 	snop  }
__scs_overlays_trampoline_lowered:
0x8: {  	[smem:$0x3FA4] =	sst s0  }
0x9: {  	[smem:$0x3FA5] =	sst s1  }
0xa: {  	[smem:$0x3FA6] =	sst s2  }
0xb: {  	[smem:$0x3FA7] =	sst s3  }
0xc: {  	[smem:$0x3FA8] =	sst s4  }
0xd: {  	[smem:$0x3FA9] =	sst s5  }
0xe: {  	[smem:$0x3FAA] =	sst s6  }
0xf: {  	[smem:$0x3FAB] =	sst s7  }
0x10: {  	[smem:$0x3FAC] =	sst s8  }
0x11: {  	[smem:$0x3FAD] =	sst s9;
	s0 =	simm.s32 @!p0 $0x0  }
0x12: {  	s1 =	sld [smem:$0x3F93];
	s0 =	simm.s32 @p0 $0x1  }
0x13: {  	[smem:$0x3FAE] =	sst s0;
	s0 =	simm.s32 @!p1 $0x0  }
0x14: {  	s2 =	sld [smem:$0x3F92];
	s0 =	simm.s32 @p1 $0x1  }
0x15: {  	[smem:$0x3FAF] =	sst s0;
	s0 =	simm.s32 @!p2 $0x0  }
0x16: {  	s3 =	sld [smem:$0x3FDB];
	s0 =	simm.s32 @p2 $0x1  }
0x17: {  	s4 =	simm.s32 $0x1BF5;
	[smem:$0x3FB1] =	sst s0  }
0x18: {  	s0 =	sld [smem:$0x3F94];
	_ =	swait.ge [sflag:s4], $0x0  }
0x19: {  	s7 =	sld [smem:$0x3F95]  }
0x1a: {  	s8 =	sadd.s32 $0xFFFFE003, lr  }
0x1b: {  	s9 =	sadd.s32 $0xFFFFFEF7, lr;
	s5 =	simm.s32 $0xFFFFFFFF;
	p2 =	slt.u32 s8, $0xFFFFF086  }
0x1c: {  	p1 =	slt.u32 s9, $0xF7A;
	s5 =	simm.s32 @!p2 $0x0  }
0x1d: {  	s5 =	simm.s32 @p1 $0x1;
	p0 =	seq.s32 s7, s2  }
0x1e: {  	s7 =	smul.u32 @!p0 $0xF7A, s2;
	p2 =	seq.s32 @!p0 s5, $0x0  }
0x1f: {  	s9 =	smul.u32 $0xF7A, s1;
	s8 =	simm.s32 @!p0 $0x1BF5;
	p2 =	por !p2, p0  }
0x20: {  	[sflag:s8] =	ssyncset.s32 @!p0 $0xFFFFF086;
	s6 =	sadd.s32 @!p0 s3, s7;
	s7 =	simm.s32 @!p0 $0x108  }
0x21: {  	s3 =	sadd.s32 s3, s9;
	s6 =	sadd.s32 @!p0 $0x88, s6;
	s7 =	simm.s32 @p2 $0x1082  }
0x22: {  	[simem:s7], [sflag:s8] =	dma.local @!p0 [hbm:s6], $0xF7A  }
0x23: {  	s9 =	sor.u32 $0xD0000000, s2;
	s6 =	simm.s32 $0x108;
	_ =	swait.ge @!p0 [sflag:s8], $0x0  }
0x24: {  	s3 =	sadd.s32 $0x88, s3;
	s6 =	simm.s32 @!p1 $0x1082;
	[sflag:s4] =	ssyncset.s32 $0xFFFFF086  }
0x25: {  	[simem:s6], [sflag:s4] =	dma.local [hbm:s3], $0xF7A  }
0x26: {  	[smem:$0x3F95] =	sst s1;
	(tag) =	ssettag s2;
	_ =	strace s9  }
0x27: {  	s1 =	sld [smem:$0x3FA5]  }
0x28: {  	s2 =	sld [smem:$0x3FA6]  }
0x29: {  	s4 =	sld [smem:$0x3FA8]  }
0x2a: {  	p0 =	seq.s32 s5, $0x0;
	s5 =	sld [smem:$0x3FA9]  }
0x2b: {  	s6 =	sld [smem:$0x3FAA]  }
0x2c: {  	s7 =	sld [smem:$0x3FAB]  }
0x2d: {  	s3 =	simm.s32 $0x108;
	s8 =	sld [smem:$0x3FAC]  }
0x2e: {  	s3 =	simm.s32 @!p0 $0x1082;
	s9 =	sld [smem:$0x3FAD]  }
0x2f: {  	lr =	sadd.s32 s0, s3;
	s0 =	sld [smem:$0x3FA4]  }
0x30: {  	s3 =	sld [smem:$0x3FA7]  }
0x31: {  	[smem:$0x3FB0] =	sst s10  }
0x32: {  	s10 =	sld [smem:$0x3FAE];
	_ =	sdelay $0x3  }
0x33: {  	p0 =	seq.s32 s10, $0x1;
	s10 =	sld [smem:$0x3FB0];
	_ =	sdelay $0x3  }
0x34: {  	[smem:$0x3FB0] =	sst s10  }
0x35: {  	s10 =	sld [smem:$0x3FAF];
	_ =	sdelay $0x3  }
0x36: {  	p1 =	seq.s32 s10, $0x1;
	s10 =	sld [smem:$0x3FB0];
	_ =	sdelay $0x3  }
0x37: {  	[smem:$0x3FB0] =	sst s10  }
0x38: {  	s10 =	sld [smem:$0x3FB1]  }
0x39: {  	_ = 	snop;
	(pc) =	sbr.ind lr, $3  }
0x3a: {  	_ = 	snop  }
0x3b: {  	_ = 	snop  }
0x3c: {  	p2 =	seq.s32 s10, $0x1;
	s10 =	sld [smem:$0x3FB0]  }
0x3d: {  	_ =	shalt  }
0x3e: {  	_ =	shalt  }
0x3f: {  	_ =	shalt  }
0x40: {  	_ =	shalt  }
0x41: {  	_ =	shalt  }
0x42: {  	_ =	shalt  }
0x43: {  	_ =	shalt  }
0x44: {  	_ =	shalt  }
0x45: {  	_ =	shalt  }
0x46: {  	_ =	shalt  }
0x47: {  	_ =	shalt  }
0x48: {  	_ =	shalt  }
0x49: {  	_ =	shalt  }
0x4a: {  	_ =	shalt  }
0x4b: {  	_ =	shalt  }
0x4c: {  	_ =	shalt  }
0x4d: {  	_ =	shalt  }
0x4e: {  	_ =	shalt  }
0x4f: {  	_ =	shalt  }
0x50: {  	_ =	shalt  }
0x51: {  	_ =	shalt  }
0x52: {  	_ =	shalt  }
0x53: {  	_ =	shalt  }
0x54: {  	_ =	shalt  }
0x55: {  	_ =	shalt  }
0x56: {  	_ =	shalt  }
0x57: {  	_ =	shalt  }
0x58: {  	_ =	shalt  }
0x59: {  	_ =	shalt  }
0x5a: {  	_ =	shalt  }
0x5b: {  	_ =	shalt  }
0x5c: {  	_ =	shalt  }
0x5d: {  	_ =	shalt  }
0x5e: {  	_ =	shalt  }
0x5f: {  	_ =	shalt  }
0x60: {  	_ =	shalt  }
0x61: {  	_ =	shalt  }
0x62: {  	_ =	shalt  }
0x63: {  	_ =	shalt  }
0x64: {  	_ =	shalt  }
0x65: {  	_ =	shalt  }
0x66: {  	_ =	shalt  }
0x67: {  	_ =	shalt  }
0x68: {  	_ =	shalt  }
0x69: {  	_ =	shalt  }
0x6a: {  	_ =	shalt  }
0x6b: {  	_ =	shalt  }
0x6c: {  	_ =	shalt  }
0x6d: {  	_ =	shalt  }
0x6e: {  	_ =	shalt  }
0x6f: {  	_ =	shalt  }
0x70: {  	_ =	shalt  }
0x71: {  	_ =	shalt  }
0x72: {  	_ =	shalt  }
0x73: {  	_ =	shalt  }
0x74: {  	_ =	shalt  }
0x75: {  	_ =	shalt  }
0x76: {  	_ =	shalt  }
0x77: {  	_ =	shalt  }
0x78: {  	_ =	shalt  }
0x79: {  	_ =	shalt  }
0x7a: {  	_ =	shalt  }
0x7b: {  	_ =	shalt  }
0x7c: {  	_ =	shalt  }
0x7d: {  	_ =	shalt  }
0x7e: {  	_ =	shalt  }
0x7f: {  	_ =	shalt  }
0x80: {  	_ =	shalt  }
0x81: {  	_ =	shalt  }
0x82: {  	_ =	shalt  }
0x83: {  	_ =	shalt  }
0x84: {  	_ =	shalt  }
0x85: {  	_ =	shalt  }
0x86: {  	_ =	shalt  }
0x87: {  	_ =	shalt  }
.Lfunc_end0:
.L_simem_size_0:
called_computation_lowered:
.L_overlay_start_0:
0x88: {  	s2 =	sld [smem:$0x3FD9]  }
0x89: {  	s3 =	sld [smem:$0x3FFE];
	_ =	sdelay $0x1  }
0x8a: {  	s1 =	srdreg.scid  }
0x8b: {  	s0 =	sand.u32 $0x1, s1  }
0x8c: {  	s17 =	sshll.u32 s0, $0xA;
	s2 =	sadd.s32 s3, s2  }
0x8d: {  	s2 =	sadd.s32 s2, s17  }
0x8e: {  	[smem:$0x3FBC] =	sst s2  }
0x8f: {  	_ = 	snop  }
0x90: {  	s2 =	sld [smem:$0x3FC6]  }
0x91: {  	s18 =	sld [smem:$0x3FC5]  }
0x92: {  	s4 =	sld [smem:$0x3FC4]  }
0x93: {  	s5 =	sld [smem:$0x3FC1]  }
0x94: {  	s6 =	sld [smem:$0x3FC0]  }
0x95: {  	s7 =	sld [smem:$0x3FBF]  }
0x96: {  	s8 =	sld [smem:$0x3FBE]  }
0x97: {  	s9 =	sld [smem:$0x3FD0];
	(tm) =	ssettm $0x1  }
0x98: {  	s10 =	sld [smem:$0x3FFB];
	_ =	sdelay $0x3  }
0x99: {  	_ =	strace s10  }
0x9a: {  	s10 =	sld [smem:$0x3FFC];
	_ =	sdelay $0x3  }
0x9b: {  	_ =	strace s10  }
0x9c: {  	s10 =	sld [smem:$0x3FFD];
	_ =	sdelay $0x3  }
0x9d: {  	_ =	strace s10  }
0x9e: {  	_ =	strace $0x8FFFFFFF  }
0x9f: {  	s19 =	sld [smem:$0x3FDB];
	_ =	sdelay $0x1  }
0xa0: {  	s11 =	simm.s32 $_scs_section_size  }
0xa1: {  	s12 =	simm.s32 $_size__tile_overlayer_lowered;
	s13 =	simm.s32 $_tile_overlayer_lowered  }
0xa2: {  	s22 =	simm.s32 $0x1BFF;
	s21 =	sshll.u32 s13, $0x1;
	s10 =	sadd.s32 s11, s19  }
0xa3: {  	s14 =	simm.s32 $0x0;
	s20 =	sshll.u32 s12, $0x1;
	s12 =	sadd.s32 s21, s10  }
0xa4: {  	[timem:s14], [sflag:s22] =	dma.local [hbm:s12], s20  }
0xa5: {  	_ =	swait.ge [sflag:s22], s20  }
0xa6: {  	s11 =	ssub.s32 $0x0, s20;
	[sflag:s22] =	ssyncset.done $0x0  }
0xa7: {  	[sflag:s22] =	ssyncadd.s32 s11;
	_ =	sdelay $0x1  }
0xa8: {  	s23 =	simm.s32 $0x1B8B  }
0xa9: {  	_ =	swait.ge [sflag:s23], $0x1  }
0xaa: {  	[sflag:s23] =	ssyncset.done $0x0  }
0xab: {  	s25 =	simm.s32 $0x1B8E;
	s24 =	sld [smem:$0x3FFE];
	[sflag:s23] =	ssyncadd.s32 $0xFFFFFFFF  }
0xac: {  	s26 =	simm.s32 $execute0_lowered;
	[smem:$0x3FD2] =	sst s25  }
0xad: {  	s12 =	sshll.u32 s26, $0x1;
	_ =	strace $0x80000046;
	[dreg:$0x1] =	wrdreg $0xFFFFFFFF  }
0xae: {  	s28 =	simm.s32 $_size_execute0_lowered;
	s10 =	sadd.s32 s10, s12;
	[dreg:$0x0] =	wrdreg $0x0  }
0xaf: {  	s12 =	sshll.u32 s28, $0x1;
	[dreg:$0x2] =	wrdreg s10  }
0xb0: {  	[dreg:$0x3] =	wrdreg s12  }
0xb1: {  	[dreg:$0x4] =	wrdreg $0xC0  }
0xb2: {  	_ =	task [dreg:s14], $0x5FFFF  }
0xb3: {  	[dreg:$0x1] =	wrdreg $0xFFFFFFFF  }
0xb4: {  	[dreg:$0x0] =	wrdreg $0x60  }
0xb5: {  	[dreg:$0x2] =	wrdreg s2  }
0xb6: {  	[dreg:$0x3] =	wrdreg s18  }
0xb7: {  	[dreg:$0x4] =	wrdreg s4  }
0xb8: {  	[dreg:$0x5] =	wrdreg s24  }
0xb9: {  	[dreg:$0x6] =	wrdreg s5  }
0xba: {  	[dreg:$0x7] =	wrdreg s6  }
0xbb: {  	[dreg:$0x8] =	wrdreg s7  }
0xbc: {  	[dreg:$0x9] =	wrdreg s8  }
0xbd: {  	[dreg:$0xa] =	wrdreg s9  }
0xbe: {  	[dreg:$0xb] =	wrdreg $0x9  }
0xbf: {  	_ =	task.clear_ibuf [dreg:s14], $0xCFFFF;
	_ =	strace $0x90000046  }
0xc0: {  	s29 =	simm.s32 $0x9;
	_ =	strace $0x80000048  }
0xc1: {  	_ =	swait.ge [sflag:s29], $0x1  }
0xc2: {  	[sflag:s29] =	ssyncadd.s32 $0xFFFFFFFF  }
0xc3: {  	_ =	strace $0x90000048  }
0xc4: {  	_ =	sfence  }
0xc5: {  	s30 =	sld [smem:$0x0];
	_ =	sdelay $0x2  }
0xc6: {  	s31 =	sshll.u32 s1, $0xD;
	s1 =	sshrl.u32 s1, $0x2  }
0xc7: {  	s3 =	sand.u32 $0x4000, s31;
	s1 =	sadd.s32 s1, s30  }
0xc8: {  	s0 =	sor.u32 s3, s0;
	s1 =	sshll.u32 s1, $0x11  }
0xc9: {  	s0 =	sor.u32 s1, s0  }
0xca: {  	s0 =	sadd.s32 $0x8F2B, s0  }
0xcb: {  	[sflag:s0] =	ssyncadd.remote.s32 $0x1  }
0xcc: {  	_ =	sfence.sel $0xFFFF  }
0xcd: {  	[dreg:$0x0] =	wrdreg $0xFFFFFFFF;
	(pc) =	sbr.abs _section_cstart, $3  }
0xce: {  	[dreg:$0x1] =	wrdreg $0xFFFFFFFF  }
0xcf: {  	_ =	task.clear_ibuf [dreg:s14], $0x2FFFF;
	_ =	strace $0x9FFFFFFF  }
0xd0: {  	(tm) =	ssettm $0x7FFFFFFF  }
0xd1: {  	_ =	shalt  }
tec
execute0_lowered:
.L_overlay_start_1:
0x0: {  	(tag) =	ssettag $0x1  }
0x1: {  	s0 =	rddreg [dreg:$0x0]  }
0x2: {  	s1 =	rddreg [dreg:$0x1]  }
0x3: {  	s2 =	rddreg [dreg:$0x2]  }
0x4: {  	s3 =	rddreg [dreg:$0x3]  }
0x5: {  	s5 =	rddreg [dreg:$0x5]  }
0x6: {  	s8 =	rddreg [dreg:$0x8];
	s10 =	simm.s32 $0x0;
	s28 =	simm.s32 $0x1B400;
	v0 =	vimm.s32 $0xE0A0602;
	v1 =	vimm.s32 $0x1E1A1612  }
0x7: {  	s4 =	srdreg.scid;
	s6 =	stileid.u32;
	s29 =	simm.s32 $0x1C400;
	v2 =	vimm.s32 $0xC080400;
	vm0 =	vcmask $0x1F10;
	v3 =	vimm.s32 $0x1C181410  }
0x8: {  	v8 =	vlaneseq.u32;
	s31 =	simm.s32 $0x1;
	s13 =	simm.s32 $0x2;
	[smem:$0x7FF] =	sst s10;
	v0 =	vunpack.c.0.s8.s32 v0;
	v1 =	vunpack.c.0.s8.s32 v1  }
0x9: {  	s4 =	sand.u32 $0x1, s4;
	s6 =	sshll.u32 s6, $0xB;
	s11 =	sadd.s32 $0x6800, s3;
	v2 =	vunpack.c.0.s8.s32 v2;
	v3 =	vunpack.c.0.s8.s32 v3;
	v7 =	vshrl.u32 v8, $0x3  }
0xa: {  	v4 =	vimm.s32 $0xF0B0703;
	v5 =	vimm.s32 $0x1F1B1713;
	s16 =	sadd.s32 $0x100, s0;
	s17 =	sadd.s32 $0x200, s0;
	s18 =	sadd.s32 $0x100, s1;
	v12 =	vmul.u32 $0xFFFFFFFF, v7  }
0xb: {  	s19 =	sadd.s32 $0x200, s1;
	s7 =	sshll.u32 s4, $0xA;
	s4 =	ssub.s32 $0x2, s4;
	v6 =	vsel vm0, v1, v0;
	v0 =	vimm.s32 $0xD090501;
	v3 =	vsel vm0, v3, v2  }
0xc: {  	s20 =	sadd.s32 $0x100, s2;
	s12 =	sor.u32 s7, s6;
	s9 =	sshrl.u32 s4, $0x1;
	v1 =	vunpack.c.0.s8.s32 v4;
	v2 =	vimm.s32 $0x1D191511;
	v4 =	vunpack.c.0.s8.s32 v5  }
0xd: {  	_ =	strace $0x80000047;
	s7 =	sshrl.u32 s12, $0x3;
	s4 =	ssub.s32 s4, s9;
	v5 =	vunpack.c.0.s8.s32 v0;
	v2 =	vunpack.c.0.s8.s32 v2;
	v0 =	vcombine.low v3, v6  }
0xe: {  	s6 =	sshrl.u32 s12, $0x1;
	v11 =	vadd.s32 $0x3, v12;
	v12 =	vadd.s32 $0x1, v12;
	s7 =	sadd.s32 s7, s3;
	s30 =	smax.u32 s4, $0x1;
	v4 =	vsel vm0, v4, v1  }
0xf: {  	s6 =	sadd.s32 s6, s3;
	s25 =	sadd.s32 $0x800, s7;
	[dreg:$0xd] =	wrdreg s30;
	v5 =	vsel vm0, v2, v5;
	vm0 =	vmmov $0xffff;
	v2 =	vcombine.low v4, v6  }
0x10: {  	s21 =	sadd.s32 $0x200, s2;
	s6 =	sadd.s32 $0x2800, s6;
	v6 =	vmul.u32 $0x2, v7;
	[dreg:$0xa] =	wrdreg s25;
	v1 =	vcombine.low v5, v4;
	v3 =	vcombine.low v5, v3  }
0x11: {  	s22 =	sadd.s32 $0x6900, s3;
	s26 =	sadd.s32 $0x1800, s7;
	[dreg:$0xb] =	wrdreg s6;
	v4 =	vmul.u32 $0x400, v7;
	v5 =	vand.u32 $0x7, v8;
	v7 =	vmul.u32 $0x8, v7  }
0x12: {  	s23 =	sadd.s32 $0x6A00, s3;
	[dreg:$0xc] =	wrdreg s26;
	v8 =	vor.u32 $0x8, v8;
	s6 =	simm.s32 $0x0;
	v9 =	vmul.u32 $0x4, v5;
	v10 =	vor.u32 $0x1, v6  }
.LBB2_1:
0x13: {  	[dreg:$0xe] =	wrdreg s6  }
0x14: {  	s3 =	rddreg [dreg:$0xa];
	s4 =	simm.s32 $0x1B000;
	s6 =	simm.s32 $0x5  }
0x15: {  	[tilespmem:s4], [sflag:$0x5] =	stream.linear.gather [hbm4b:s3+s10], $0x400, $0x38;
	[tilespmem:$0x1DA00] =	vst v63  }
0x16: {  	_ =	swait.ge [sflag:s6], $0x400  }
0x17: {  	[sflag:s6] =	ssyncset.done $0x0  }
0x18: {  	s26 =	rddreg [dreg:$0xb];
	[sflag:s6] =	ssyncadd.s32 $0xFFFFFC00  }
0x19: {  	[tilespmem:s28], [sflag:$0x5] =	stream.linear.gather [hbm4b:s26+s10], $0x1000, $0x38;
	[tilespmem:$0x1DA00] =	vst v63  }
0x1a: {  	_ =	swait.ge [sflag:s6], $0x1000  }
0x1b: {  	[sflag:s6] =	ssyncset.done $0x0  }
0x1c: {  	s30 =	rddreg [dreg:$0xc];
	[sflag:s6] =	ssyncadd.s32 $0xFFFFF000  }
0x1d: {  	[tilespmem:s29], [sflag:$0x5] =	stream.linear.gather [hbm4b:s30+s10], $0x400, $0x38;
	[tilespmem:$0x1DA00] =	vst v63  }
0x1e: {  	_ =	swait.ge [sflag:s6], $0x400  }
0x1f: {  	[sflag:s6] =	ssyncset.done $0x0  }
0x20: {  	[sflag:s6] =	ssyncadd.s32 $0xFFFFFC00  }
0x21: {  	s7 =	simm.s32 $0x1CB00;
	s4 =	rddreg [dreg:$0x4]  }
0x22: {  	[tilespmem:s7], [sflag:$0x5] =	stream.linear.gather [hbm4b:s4+s10], $0x600, $0x38;
	[tilespmem:$0x1DA00] =	vst v63  }
0x23: {  	_ =	swait.ge [sflag:s6], $0x600  }
0x24: {  	[sflag:s6] =	ssyncset.done $0x0  }
0x25: {  	[sflag:s6] =	ssyncadd.s32 $0xFFFFFA00  }
0x26: {  	s14 =	simm.s32 $0x1D400;
	s9 =	rddreg [dreg:$0x6]  }
0x27: {  	[tilespmem:s14], [sflag:$0x5] =	stream.linear.gather [hbm4b:s9+s10], $0x300, $0x38;
	[tilespmem:$0x1DA00] =	vst v63  }
0x28: {  	_ =	swait.ge [sflag:s6], $0x300  }
0x29: {  	[sflag:s6] =	ssyncset.done $0x0  }
0x2a: {  	[sflag:s6] =	ssyncadd.s32 $0xFFFFFD00  }
0x2b: {  	s24 =	simm.s32 $0x1D700;
	s15 =	rddreg [dreg:$0x7]  }
0x2c: {  	[tilespmem:s24], [sflag:$0x5] =	stream.linear.gather [hbm4b:s15+s10], $0x300, $0x38;
	[tilespmem:$0x1DA00] =	vst v63  }
0x2d: {  	_ =	swait.ge [sflag:s6], $0x300  }
0x2e: {  	s25 =	sand.u32 $0x70, s10;
	s26 =	sand.u32 $0x700, s10;
	[sflag:s6] =	ssyncset.done $0x0  }
0x2f: {  	s3 =	sor.u32 s25, s26;
	[sflag:s6] =	ssyncadd.s32 $0xFFFFFD00  }
0x30: {  	s4 =	sadd.s32 $0x1CB00, s3;
	v13 =	vld [tilespmem:s3+$0x1CB00]  }
0x31: {  	v14 =	vld [tilespmem:s4+$0x80];
	_ =	sdelay $0x3  }
0x32: {  	s30 =	simm.s32 $0x10  }
0x33: {  	s7 =	sand.u32 $0x70, s30;
	s4 =	simm.s32 $0x20;
	v13 =	vsub.f32 v14, v13  }
0x34: {  	s6 =	simm.s32 $0x20;
	s3 =	simm.s32 $0x1D100;
	s9 =	sand.u32 $0x700, s4  }
.LBB2_2:
0x35: {  	p0 =	sne.s32 s6, $0x2F0;
	s7 =	sor.u32 s7, s9;
	[tilespmem:s3+$0x0] =	vst v13  }
0x36: {  	s9 =	sadd.s32 $0x1CB00, s7;
	v13 =	vld [tilespmem:s7+$0x1CB00]  }
0x37: {  	v14 =	vld [tilespmem:s9+$0x80];
	_ =	sdelay $0x1  }
.Ltmp0:
0x38: {  	(pc) =	sbr.rel @p0 .LBB2_2-.Ltmp0, $3  }
0x39: {  	_ =	sdelay $0x1  }
0x3a: {  	s4 =	sadd.s32 $0x20, s4;
	s3 =	sadd.s32 $0x10, s3;
	v13 =	vsub.f32 v14, v13  }
0x3b: {  	s7 =	sand.u32 $0x70, s6;
	s6 =	sadd.s32 $0x10, s6;
	s9 =	sand.u32 $0x700, s4  }
0x3c: {  	s4 =	sor.u32 s7, s9;
	[tilespmem:s3+$0x0] =	vst v13  }
0x3d: {  	v13 =	vld [tilespmem:s4+$0x1CB00];
	s4 =	sadd.s32 $0x1CB00, s4  }
0x3e: {  	v14 =	vld [tilespmem:s4+$0x80];
	_ =	sdelay $0x4  }
0x3f: {  	v13 =	vsub.f32 v14, v13  }
0x40: {  	s24 =	sadd.s32 $0x10, s3  }
0x41: {  	[tilespmem:s24+$0x0] =	vst v13  }
0x42: {  	v13 =	vld.idx.msk [tilespmem:v0+s28+$0x0], $0xffff;
	_ =	sdelay $0x4  }
0x43: {  	[tilespmem:$0x1C800] =	vst v13;
	v13 =	vld.msk [tilespmem:$0x1B000], $0xff  }
0x44: {  	v14 =	vld.idx.msk [tilespmem:v1+s28+$0x0], $0xffff;
	_ =	sdelay $0x3  }
0x45: {  	v15 =	vshrl.u32 v13, $0x3  }
0x46: {  	[tilespmem:$0x1C900] =	vst v14;
	v14 =	vmul.u32 $0x30, v15  }
0x47: {  	v13 =	vand.u32 $0x7, v13;
	v15 =	vld.idx.msk [tilespmem:v2+s28+$0x0], $0xffff  }
0x48: {  	v13 =	vor.u32 v13, v14;
	v14 =	vld.idx.msk [tilespmem:v3+s28+$0x0], $0xffff  }
0x49: {  	v13 =	vperm.xlane v13, v5;
	_ =	sdelay $0x1  }
0x4a: {  	v13 =	vadd.s32 v7, v13;
	_ =	sdelay $0x1  }
0x4b: {  	v14 =	vsub.s32 v15, v14  }
0x4c: {  	v14 =	vadd.s32 v4, v14  }
0x4d: {  	s14 =	simm.s32 $0x0;
	[tilespmem:$0x1CA00] =	vst v14  }
0x4e: {  	[tilespmem:s14], [sflag:$0x1] =	stream.indirect_vreg.gather [hbm4b:s0+s14], $0x80, v13, vm0, $0xb8;
	[tilespmem:$0x1DA00] =	vst v63  }
0x4f: {  	s25 =	simm.s32 $0x800  }
0x50: {  	[tilespmem:s25], [sflag:$0x1] =	stream.indirect_vreg.gather [hbm4b:s16+s14], $0x80, v13, vm0, $0xb8;
	[tilespmem:$0x1DA00] =	vst v63  }
0x51: {  	s26 =	simm.s32 $0x1000  }
0x52: {  	[tilespmem:s26], [sflag:$0x1] =	stream.indirect_vreg.gather [hbm4b:s17+s14], $0x80, v13, vm0, $0xb8;
	[tilespmem:$0x1DA00] =	vst v63  }
0x53: {  	v13 =	vld [tilespmem:$0x1C800];
	_ =	sdelay $0x4  }
0x54: {  	v14 =	vshrl.u32 v13, $0x3  }
0x55: {  	v14 =	vmul.u32 $0x30, v14  }
0x56: {  	v13 =	vand.u32 $0x7, v13  }
0x57: {  	v13 =	vor.u32 v13, v14  }
0x58: {  	v14 =	vperm.xlane v13, v5;
	_ =	sdelay $0x1  }
0x59: {  	v14 =	vadd.s32 v7, v14;
	_ =	sdelay $0x3  }
0x5a: {  	s30 =	simm.s32 $0x3000;
	v13 =	vperm.xlane v13, v8  }
0x5b: {  	[tilespmem:s30], [sflag:$0x1] =	stream.indirect_vreg.gather [hbm4b:s1+s14], $0x80, v14, vm0, $0xb8;
	[tilespmem:$0x1DA00] =	vst v63  }
0x5c: {  	s4 =	simm.s32 $0x3800;
	v13 =	vadd.s32 v7, v13  }
0x5d: {  	[tilespmem:s4], [sflag:$0x1] =	stream.indirect_vreg.gather [hbm4b:s18+s14], $0x80, v14, vm0, $0xb8;
	[tilespmem:$0x1DA00] =	vst v63  }
0x5e: {  	s6 =	simm.s32 $0x4000  }
0x5f: {  	[tilespmem:s6], [sflag:$0x1] =	stream.indirect_vreg.gather [hbm4b:s19+s14], $0x80, v14, vm0, $0xb8;
	[tilespmem:$0x1DA00] =	vst v63  }
0x60: {  	s7 =	simm.s32 $0x4800  }
0x61: {  	[tilespmem:s7], [sflag:$0x1] =	stream.indirect_vreg.gather [hbm4b:s1+s14], $0x80, v13, vm0, $0xb8;
	[tilespmem:$0x1DA00] =	vst v63  }
0x62: {  	s9 =	simm.s32 $0x5000  }
0x63: {  	[tilespmem:s9], [sflag:$0x1] =	stream.indirect_vreg.gather [hbm4b:s18+s14], $0x80, v13, vm0, $0xb8;
	[tilespmem:$0x1DA00] =	vst v63  }
0x64: {  	s15 =	simm.s32 $0x5800  }
0x65: {  	[tilespmem:s15], [sflag:$0x1] =	stream.indirect_vreg.gather [hbm4b:s19+s14], $0x80, v13, vm0, $0xb8;
	[tilespmem:$0x1DA00] =	vst v63  }
0x66: {  	v13 =	vld [tilespmem:$0x1C900];
	_ =	sdelay $0x4  }
0x67: {  	v14 =	vshrl.u32 v13, $0x3  }
0x68: {  	v14 =	vmul.u32 $0x30, v14  }
0x69: {  	v13 =	vand.u32 $0x7, v13  }
0x6a: {  	v13 =	vor.u32 v13, v14  }
0x6b: {  	v14 =	vperm.xlane v13, v5;
	_ =	sdelay $0x1  }
0x6c: {  	v14 =	vadd.s32 v7, v14;
	_ =	sdelay $0x3  }
0x6d: {  	s24 =	simm.s32 $0x9000;
	v13 =	vperm.xlane v13, v8  }
0x6e: {  	[tilespmem:s24], [sflag:$0x1] =	stream.indirect_vreg.gather [hbm4b:s2+s14], $0x80, v14, vm0, $0xb8;
	[tilespmem:$0x1DA00] =	vst v63  }
0x6f: {  	s25 =	simm.s32 $0x9800;
	v13 =	vadd.s32 v7, v13  }
0x70: {  	[tilespmem:s25], [sflag:$0x1] =	stream.indirect_vreg.gather [hbm4b:s20+s14], $0x80, v14, vm0, $0xb8;
	[tilespmem:$0x1DA00] =	vst v63  }
0x71: {  	s26 =	simm.s32 $0xA000  }
0x72: {  	[tilespmem:s26], [sflag:$0x1] =	stream.indirect_vreg.gather [hbm4b:s21+s14], $0x80, v14, vm0, $0xb8;
	[tilespmem:$0x1DA00] =	vst v63  }
0x73: {  	s30 =	simm.s32 $0xA800  }
0x74: {  	[tilespmem:s30], [sflag:$0x1] =	stream.indirect_vreg.gather [hbm4b:s2+s14], $0x80, v13, vm0, $0xb8;
	[tilespmem:$0x1DA00] =	vst v63  }
0x75: {  	s4 =	simm.s32 $0xB000  }
0x76: {  	[tilespmem:s4], [sflag:$0x1] =	stream.indirect_vreg.gather [hbm4b:s20+s14], $0x80, v13, vm0, $0xb8;
	[tilespmem:$0x1DA00] =	vst v63  }
0x77: {  	s6 =	simm.s32 $0xB800  }
0x78: {  	[tilespmem:s6], [sflag:$0x1] =	stream.indirect_vreg.gather [hbm4b:s21+s14], $0x80, v13, vm0, $0xb8;
	[tilespmem:$0x1DA00] =	vst v63  }
0x79: {  	v13 =	vld [tilespmem:$0x1CA00];
	_ =	sdelay $0x4  }
0x7a: {  	v14 =	vshrl.u32 v13, $0x3  }
0x7b: {  	v14 =	vmul.u32 $0x30, v14  }
0x7c: {  	v13 =	vand.u32 $0x7, v13  }
0x7d: {  	v13 =	vor.u32 v13, v14  }
0x7e: {  	v14 =	vperm.xlane v13, v5;
	_ =	sdelay $0x1  }
0x7f: {  	v14 =	vadd.s32 v7, v14;
	_ =	sdelay $0x3  }
0x80: {  	s7 =	simm.s32 $0xF000;
	v13 =	vperm.xlane v13, v8  }
0x81: {  	[tilespmem:s7], [sflag:$0x1] =	stream.indirect_vreg.gather [hbm4b:s11+s14], $0x80, v14, vm0, $0xb8;
	[tilespmem:$0x1DA00] =	vst v63  }
0x82: {  	s9 =	simm.s32 $0xF800;
	v13 =	vadd.s32 v7, v13  }
0x83: {  	[tilespmem:s9], [sflag:$0x1] =	stream.indirect_vreg.gather [hbm4b:s22+s14], $0x80, v14, vm0, $0xb8;
	[tilespmem:$0x1DA00] =	vst v63  }
0x84: {  	s15 =	simm.s32 $0x10000  }
0x85: {  	[tilespmem:s15], [sflag:$0x1] =	stream.indirect_vreg.gather [hbm4b:s23+s14], $0x80, v14, vm0, $0xb8;
	[tilespmem:$0x1DA00] =	vst v63  }
0x86: {  	s24 =	simm.s32 $0x10800  }
0x87: {  	[tilespmem:s24], [sflag:$0x1] =	stream.indirect_vreg.gather [hbm4b:s11+s14], $0x80, v13, vm0, $0xb8;
	[tilespmem:$0x1DA00] =	vst v63  }
0x88: {  	s25 =	simm.s32 $0x11000  }
0x89: {  	[tilespmem:s25], [sflag:$0x1] =	stream.indirect_vreg.gather [hbm4b:s22+s14], $0x80, v13, vm0, $0xb8;
	[tilespmem:$0x1DA00] =	vst v63  }
0x8a: {  	s26 =	simm.s32 $0x11800  }
0x8b: {  	[tilespmem:s26], [sflag:$0x1] =	stream.indirect_vreg.gather [hbm4b:s23+s14], $0x80, v13, vm0, $0xb8;
	[tilespmem:$0x1DA00] =	vst v63  }
0x8c: {  	s30 =	simm.s32 $0x15000  }
0x8d: {  	[tilespmem:s30], [sflag:$0x1] =	stream.linear.gather [hbm4b:s5+s14], $0x1800, $0x38;
	[tilespmem:$0x1DA00] =	vst v63  }
.LBB2_4:
0x8e: {  	s24 =	sshll.u32 s14, $0x4  }
0x8f: {  	s15 =	sor.u32 $0x8, s24  }
0x90: {  	v13 =	vmov s15  }
0x91: {  	v13 =	vshll.u32 v13, $0x2  }
0x92: {  	v13 =	vor.u32 v9, v13  }
0x93: {  	v14 =	vor.u32 v6, v13;
	_ =	sdelay $0x4  }
0x94: {  	v14 =	vld.idx.msk [tilespmem:v14+s28+$0x0], $0xffff  }
0x95: {  	v15 =	vor.u32 v10, v13;
	_ =	sdelay $0x3  }
0x96: {  	[tilespmem:$0x1C880] =	vst v14  }
0x97: {  	v14 =	vld.idx.msk [tilespmem:v15+s28+$0x0], $0xffff  }
0x98: {  	v15 =	vor.u32 v11, v13  }
0x99: {  	v13 =	vor.u32 v12, v13;
	_ =	sdelay $0x2  }
0x9a: {  	[tilespmem:$0x1C980] =	vst v14  }
0x9b: {  	v14 =	vld.idx.msk [tilespmem:v15+s28+$0x0], $0xffff  }
0x9c: {  	v13 =	vld.idx.msk [tilespmem:v13+s28+$0x0], $0xffff;
	_ =	sdelay $0x4  }
0x9d: {  	v13 =	vsub.s32 v14, v13  }
0x9e: {  	v13 =	vadd.s32 v4, v13  }
0x9f: {  	[tilespmem:$0x1CA80] =	vst v13  }
0xa0: {  	v13 =	vld.msk [tilespmem:s24+$0x1B008], $0xff;
	_ =	sdelay $0x4  }
0xa1: {  	v14 =	vshrl.u32 v13, $0x3  }
0xa2: {  	v14 =	vmul.u32 $0x30, v14  }
0xa3: {  	v13 =	vand.u32 $0x7, v13  }
0xa4: {  	v13 =	vor.u32 v13, v14  }
0xa5: {  	v13 =	vperm.xlane v13, v5;
	_ =	sdelay $0x1  }
0xa6: {  	v13 =	vadd.s32 v7, v13;
	_ =	sdelay $0x3  }
0xa7: {  	s3 =	simm.s32 $0x1800  }
0xa8: {  	[tilespmem:s3], [sflag:$0x2] =	stream.indirect_vreg.gather [hbm4b:s0+s10], $0x80, v13, vm0, $0xb8;
	[tilespmem:$0x1DA00] =	vst v63  }
0xa9: {  	s4 =	simm.s32 $0x2000  }
0xaa: {  	[tilespmem:s4], [sflag:$0x2] =	stream.indirect_vreg.gather [hbm4b:s16+s10], $0x80, v13, vm0, $0xb8;
	[tilespmem:$0x1DA00] =	vst v63  }
0xab: {  	s6 =	simm.s32 $0x2800  }
0xac: {  	[tilespmem:s6], [sflag:$0x2] =	stream.indirect_vreg.gather [hbm4b:s17+s10], $0x80, v13, vm0, $0xb8;
	[tilespmem:$0x1DA00] =	vst v63  }
0xad: {  	v13 =	vld [tilespmem:$0x1C880];
	_ =	sdelay $0x4  }
0xae: {  	v14 =	vshrl.u32 v13, $0x3  }
0xaf: {  	v14 =	vmul.u32 $0x30, v14  }
0xb0: {  	v13 =	vand.u32 $0x7, v13  }
0xb1: {  	v13 =	vor.u32 v13, v14  }
0xb2: {  	v14 =	vperm.xlane v13, v5;
	_ =	sdelay $0x1  }
0xb3: {  	v14 =	vadd.s32 v7, v14;
	_ =	sdelay $0x3  }
0xb4: {  	s7 =	simm.s32 $0x6000;
	v13 =	vperm.xlane v13, v8  }
0xb5: {  	[tilespmem:s7], [sflag:$0x2] =	stream.indirect_vreg.gather [hbm4b:s1+s10], $0x80, v14, vm0, $0xb8;
	[tilespmem:$0x1DA00] =	vst v63  }
0xb6: {  	s9 =	simm.s32 $0x6800;
	v13 =	vadd.s32 v7, v13  }
0xb7: {  	[tilespmem:s9], [sflag:$0x2] =	stream.indirect_vreg.gather [hbm4b:s18+s10], $0x80, v14, vm0, $0xb8;
	[tilespmem:$0x1DA00] =	vst v63  }
0xb8: {  	s25 =	simm.s32 $0x7000  }
0xb9: {  	[tilespmem:s25], [sflag:$0x2] =	stream.indirect_vreg.gather [hbm4b:s19+s10], $0x80, v14, vm0, $0xb8;
	[tilespmem:$0x1DA00] =	vst v63  }
0xba: {  	s26 =	simm.s32 $0x7800  }
0xbb: {  	[tilespmem:s26], [sflag:$0x2] =	stream.indirect_vreg.gather [hbm4b:s1+s10], $0x80, v13, vm0, $0xb8;
	[tilespmem:$0x1DA00] =	vst v63  }
0xbc: {  	s30 =	simm.s32 $0x8000  }
0xbd: {  	[tilespmem:s30], [sflag:$0x2] =	stream.indirect_vreg.gather [hbm4b:s18+s10], $0x80, v13, vm0, $0xb8;
	[tilespmem:$0x1DA00] =	vst v63  }
0xbe: {  	s4 =	simm.s32 $0x8800  }
0xbf: {  	[tilespmem:s4], [sflag:$0x2] =	stream.indirect_vreg.gather [hbm4b:s19+s10], $0x80, v13, vm0, $0xb8;
	[tilespmem:$0x1DA00] =	vst v63  }
0xc0: {  	v13 =	vld [tilespmem:$0x1C980];
	_ =	sdelay $0x4  }
0xc1: {  	v14 =	vshrl.u32 v13, $0x3  }
0xc2: {  	v14 =	vmul.u32 $0x30, v14  }
0xc3: {  	v13 =	vand.u32 $0x7, v13  }
0xc4: {  	v13 =	vor.u32 v13, v14  }
0xc5: {  	v14 =	vperm.xlane v13, v5;
	_ =	sdelay $0x1  }
0xc6: {  	v14 =	vadd.s32 v7, v14;
	_ =	sdelay $0x3  }
0xc7: {  	s6 =	simm.s32 $0xC000;
	v13 =	vperm.xlane v13, v8  }
0xc8: {  	[tilespmem:s6], [sflag:$0x2] =	stream.indirect_vreg.gather [hbm4b:s2+s10], $0x80, v14, vm0, $0xb8;
	[tilespmem:$0x1DA00] =	vst v63  }
0xc9: {  	s7 =	simm.s32 $0xC800;
	v13 =	vadd.s32 v7, v13  }
0xca: {  	[tilespmem:s7], [sflag:$0x2] =	stream.indirect_vreg.gather [hbm4b:s20+s10], $0x80, v14, vm0, $0xb8;
	[tilespmem:$0x1DA00] =	vst v63  }
0xcb: {  	s9 =	simm.s32 $0xD000  }
0xcc: {  	[tilespmem:s9], [sflag:$0x2] =	stream.indirect_vreg.gather [hbm4b:s21+s10], $0x80, v14, vm0, $0xb8;
	[tilespmem:$0x1DA00] =	vst v63  }
0xcd: {  	s25 =	simm.s32 $0xD800  }
0xce: {  	[tilespmem:s25], [sflag:$0x2] =	stream.indirect_vreg.gather [hbm4b:s2+s10], $0x80, v13, vm0, $0xb8;
	[tilespmem:$0x1DA00] =	vst v63  }
0xcf: {  	s26 =	simm.s32 $0xE000  }
0xd0: {  	[tilespmem:s26], [sflag:$0x2] =	stream.indirect_vreg.gather [hbm4b:s20+s10], $0x80, v13, vm0, $0xb8;
	[tilespmem:$0x1DA00] =	vst v63  }
0xd1: {  	s30 =	simm.s32 $0xE800  }
0xd2: {  	[tilespmem:s30], [sflag:$0x2] =	stream.indirect_vreg.gather [hbm4b:s21+s10], $0x80, v13, vm0, $0xb8;
	[tilespmem:$0x1DA00] =	vst v63  }
0xd3: {  	v13 =	vld [tilespmem:$0x1CA80];
	_ =	sdelay $0x4  }
0xd4: {  	v14 =	vshrl.u32 v13, $0x3  }
0xd5: {  	v14 =	vmul.u32 $0x30, v14  }
0xd6: {  	v13 =	vand.u32 $0x7, v13  }
0xd7: {  	v13 =	vor.u32 v13, v14  }
0xd8: {  	v14 =	vperm.xlane v13, v5;
	_ =	sdelay $0x1  }
0xd9: {  	v14 =	vadd.s32 v7, v14;
	_ =	sdelay $0x3  }
0xda: {  	s4 =	simm.s32 $0x12000;
	v13 =	vperm.xlane v13, v8  }
0xdb: {  	[tilespmem:s4], [sflag:$0x2] =	stream.indirect_vreg.gather [hbm4b:s11+s10], $0x80, v14, vm0, $0xb8;
	[tilespmem:$0x1DA00] =	vst v63  }
0xdc: {  	s6 =	simm.s32 $0x12800;
	v13 =	vadd.s32 v7, v13  }
0xdd: {  	[tilespmem:s6], [sflag:$0x2] =	stream.indirect_vreg.gather [hbm4b:s22+s10], $0x80, v14, vm0, $0xb8;
	[tilespmem:$0x1DA00] =	vst v63  }
0xde: {  	s7 =	simm.s32 $0x13000  }
0xdf: {  	[tilespmem:s7], [sflag:$0x2] =	stream.indirect_vreg.gather [hbm4b:s23+s10], $0x80, v14, vm0, $0xb8;
	[tilespmem:$0x1DA00] =	vst v63  }
0xe0: {  	s9 =	simm.s32 $0x13800;
	s26 =	sshrl.u32 s15, $0x3  }
0xe1: {  	[tilespmem:s9], [sflag:$0x2] =	stream.indirect_vreg.gather [hbm4b:s11+s10], $0x80, v13, vm0, $0xb8;
	[tilespmem:$0x1DA00] =	vst v63  }
0xe2: {  	s25 =	simm.s32 $0x14000;
	s3 =	sand.u32 $0x3F, s26  }
0xe3: {  	[tilespmem:s25], [sflag:$0x2] =	stream.indirect_vreg.gather [hbm4b:s22+s10], $0x80, v13, vm0, $0xb8;
	[tilespmem:$0x1DA00] =	vst v63  }
0xe4: {  	s3 =	smul.u32 $0x300, s3;
	s4 =	simm.s32 $0x14800  }
0xe5: {  	[tilespmem:s4], [sflag:$0x2] =	stream.indirect_vreg.gather [hbm4b:s23+s10], $0x80, v13, vm0, $0xb8;
	[tilespmem:$0x1DA00] =	vst v63  }
0xe6: {  	s30 =	simm.s32 $0x16800;
	s3 =	sadd.s32 s5, s3  }
0xe7: {  	[tilespmem:s30], [sflag:$0x2] =	stream.linear.gather [hbm4b:s3+s10], $0x1800, $0x38;
	[tilespmem:$0x1DA00] =	vst v63  }
0xe8: {  	_ =	swait.ge [sflag:s31], $0x1800  }
0xe9: {  	[sflag:s31] =	ssyncset.done $0x0  }
0xea: {  	[sflag:s31] =	ssyncadd.s32 $0xFFFFE800  }
0xeb: {  	_ =	swait.ge [sflag:s31], $0x3000  }
0xec: {  	[sflag:s31] =	ssyncset.done $0x0  }
0xed: {  	[sflag:s31] =	ssyncadd.s32 $0xFFFFD000  }
0xee: {  	_ =	swait.ge [sflag:s31], $0x3000  }
0xef: {  	[sflag:s31] =	ssyncset.done $0x0  }
0xf0: {  	[sflag:s31] =	ssyncadd.s32 $0xFFFFD000  }
0xf1: {  	_ =	swait.ge [sflag:s31], $0x3000  }
0xf2: {  	[sflag:s31] =	ssyncset.done $0x0  }
0xf3: {  	[sflag:s31] =	ssyncadd.s32 $0xFFFFD000  }
0xf4: {  	_ =	swait.ge [sflag:s31], $0x1800  }
0xf5: {  	p0 =	seq.s32 s14, $0x0;
	[sflag:s31] =	ssyncset.done $0x0  }
0xf6: {  	s3 =	simm.s32 @!p0 $0x3;
	[sflag:s31] =	ssyncadd.s32 $0xFFFFE800  }
0xf7: {  	_ =	swait.ge @!p0 [sflag:s3], $0x1800  }
0xf8: {  	s26 =	simm.s32 $0x61C0;
	[sflag:s3] =	ssyncset.done @!p0 $0x0  }
0xf9: {  	s6 =	simm.s32 $0x0;
	s4 =	simm.s32 $0x18040;
	[sflag:s3] =	ssyncadd.s32 @!p0 $0xFFFFE800  }
.LBB2_5:
0xfa: {  	s9 =	simm.s32 $0x1CB40  }
0xfb: {  	s25 =	simm.s32 $0x1D140;
	v14 =	vld [tilespmem:s9+$0x30]  }
0xfc: {  	v15 =	vld [tilespmem:s25+$0x30]  }
0xfd: {  	v16 =	vld [tilespmem:s9+$0x20]  }
0xfe: {  	v17 =	vld [tilespmem:s25+$0x20]  }
0xff: {  	v18 =	vld [tilespmem:s9+$0x10]  }
0x100: {  	v19 =	vld [tilespmem:s25+$0x10]  }
0x101: {  	v20 =	vld [tilespmem:s9+$0x0]  }
0x102: {  	v21 =	vld [tilespmem:s25+$0x0]  }
0x103: {  	v22 =	vld [tilespmem:s9+$0xFFFFFFF0]  }
0x104: {  	v23 =	vld [tilespmem:s25+$0xFFFFFFF0]  }
0x105: {  	v24 =	vld [tilespmem:s9+$0xFFFFFFE0]  }
0x106: {  	v25 =	vld [tilespmem:s25+$0xFFFFFFE0]  }
0x107: {  	v26 =	vld [tilespmem:s9+$0xFFFFFFD0]  }
0x108: {  	v27 =	vld [tilespmem:s25+$0xFFFFFFD0]  }
0x109: {  	v28 =	vld [tilespmem:s9+$0xFFFFFFC0]  }
0x10a: {  	s7 =	sshra.s32 s26, $0x2;
	v29 =	vld [tilespmem:s25+$0xFFFFFFC0]  }
0x10b: {  	v30 =	vld [tilespmem:s7+$0x9000]  }
0x10c: {  	v31 =	vld [tilespmem:s7+$0x8FF0]  }
0x10d: {  	v32 =	vld [tilespmem:s7+$0x7800]  }
0x10e: {  	v33 =	vld [tilespmem:s7+$0x8FE0]  }
0x10f: {  	v34 =	vld [tilespmem:s7+$0x77F0]  }
0x110: {  	v35 =	vld [tilespmem:s7+$0x3000]  }
0x111: {  	v36 =	vld [tilespmem:s7+$0xEFB0]  }
0x112: {  	v37 =	vld [tilespmem:s7+$0x8FD0]  }
0x113: {  	v38 =	vld [tilespmem:s7+$0x77E0]  }
0x114: {  	v39 =	vld [tilespmem:s7+$0x2FF0]  }
0x115: {  	v40 =	vld [tilespmem:s7+$0x1800]  }
0x116: {  	v41 =	vld [tilespmem:s7+$0xD7B0]  }
0x117: {  	v42 =	vld [tilespmem:s7+$0x77D0]  }
0x118: {  	v43 =	vld [tilespmem:s7+$0x2FE0]  }
0x119: {  	v44 =	vld [tilespmem:s7+$0x17F0]  }
0x11a: {  	v45 =	vld [tilespmem:s7+$0xFFFFE800]  }
0x11b: {  	v46 =	vld [tilespmem:s7+$0xEF90]  }
0x11c: {  	v47 =	vld [tilespmem:s7+$0x77C0]  }
0x11d: {  	s3 =	sor.u32 s24, s6;
	v48 =	vld [tilespmem:s7+$0x2FD0]  }
0x11e: {  	v13 =	vmov s3;
	v50 =	vld [tilespmem:s7+$0x13800]  }
0x11f: {  	v51 =	vld [tilespmem:s7+$0x137F0]  }
0x120: {  	v52 =	vld [tilespmem:s7+$0x137E0]  }
0x121: {  	v53 =	vld [tilespmem:s7+$0x137D0]  }
0x122: {  	v54 =	vld [tilespmem:s7+$0x137C0]  }
0x123: {  	v13 =	vld.idx.msk [tilespmem:v13+s29+$0x0], $0xffff  }
0x124: {  	v56 =	vld [tilespmem:s7+$0x137A0]  }
0x125: {  	v55 =	vld [tilespmem:s7+$0x137B0]  }
0x126: {  	v57 =	vld [tilespmem:s7+$0x13790]  }
0x127: {  	v49 =	vld [tilespmem:s7+$0x17E0];
	v14 =	vadd.f32 v14, v50;
	v18 =	vadd.f32 v18, v52  }
0x128: {  	v58 =	vld [tilespmem:s7+$0xFFFFE7F0];
	v16 =	vadd.f32 v16, v51;
	v22 =	vadd.f32 v22, v54;
	v13 =	vcvt.s32.f32 v13  }
0x129: {  	v60 =	vld [tilespmem:s7+$0x17D0];
	v20 =	vadd.f32 v20, v53;
	v26 =	vadd.f32 v26, v56  }
0x12a: {  	v61 =	vld [tilespmem:s7+$0xFFFFE7E0];
	v24 =	vadd.f32 v24, v55;
	v17 =	vmul.f32 v13, v17;
	v15 =	vmul.f32 v13, v15  }
0x12b: {  	v62 =	vld [tilespmem:s7+$0xFFFFE7D0];
	v28 =	vadd.f32 v28, v57;
	v19 =	vmul.f32 v13, v19;
	v21 =	vmul.f32 v13, v21  }
0x12c: {  	v63 =	vld [tilespmem:s7+$0xFFFFE7C0];
	v23 =	vmul.f32 v13, v23;
	v25 =	vmul.f32 v13, v25;
	v14 =	vadd.f32 v15, v14  }
0x12d: {  	v15 =	vmul.f32 v13, v27;
	v27 =	vld [tilespmem:s7+$0xFFFFE7B0];
	v18 =	vadd.f32 v19, v18;
	v16 =	vadd.f32 v17, v16  }
0x12e: {  	v17 =	vmul.f32 v13, v29;
	v19 =	vld [tilespmem:s7+$0xFFFFE7A0];
	v22 =	vadd.f32 v23, v22;
	v20 =	vadd.f32 v21, v20  }
0x12f: {  	v21 =	vld [tilespmem:s7+$0xFFFFE790];
	v23 =	vadd.f32 v25, v24;
	v15 =	vadd.f32 v15, v26  }
0x130: {  	v24 =	vld [tilespmem:s7+$0x17C0];
	v17 =	vadd.f32 v17, v28;
	v14 =	vadd.f32 v14, v45  }
0x131: {  	v25 =	vld [tilespmem:s7+$0x17B0];
	v18 =	vadd.f32 v18, v61;
	v16 =	vadd.f32 v16, v58  }
0x132: {  	v26 =	vld [tilespmem:s7+$0x17A0];
	v22 =	vadd.f32 v22, v63;
	v20 =	vadd.f32 v20, v62  }
0x133: {  	v28 =	vld [tilespmem:s7+$0x1790];
	v14 =	vadd.f32 v14, v40;
	v18 =	vadd.f32 v18, v49  }
0x134: {  	v16 =	vadd.f32 v16, v44;
	v17 =	vadd.f32 v17, v21;
	v21 =	vld [tilespmem:s7+$0x2FC0]  }
0x135: {  	v15 =	vadd.f32 v15, v19;
	v19 =	vadd.f32 v23, v27;
	v23 =	vld [tilespmem:s7+$0x2FB0]  }
0x136: {  	v20 =	vadd.f32 v20, v60;
	v27 =	vld [tilespmem:s7+$0x2FA0];
	v22 =	vadd.f32 v22, v24  }
0x137: {  	v24 =	vld [tilespmem:s7+$0x2F90];
	v14 =	vadd.f32 v14, v35;
	v18 =	vadd.f32 v18, v43  }
0x138: {  	v16 =	vadd.f32 v16, v39;
	v19 =	vadd.f32 v19, v25;
	v25 =	vld [tilespmem:s7+$0x77B0]  }
0x139: {  	v20 =	vadd.f32 v20, v48;
	v15 =	vadd.f32 v15, v26;
	v26 =	vld [tilespmem:s7+$0x7790]  }
0x13a: {  	v17 =	vadd.f32 v17, v28;
	v28 =	vld [tilespmem:s7+$0x8F90];
	v14 =	vadd.f32 v14, v32  }
0x13b: {  	v18 =	vadd.f32 v18, v38;
	v21 =	vadd.f32 v22, v21;
	v22 =	vld [tilespmem:s7+$0x77A0]  }
0x13c: {  	v19 =	vadd.f32 v19, v23;
	v17 =	vadd.f32 v17, v24;
	v23 =	vld [tilespmem:s7+$0xD790]  }
0x13d: {  	v16 =	vadd.f32 v16, v34;
	v15 =	vadd.f32 v15, v27;
	v24 =	vld [tilespmem:s7+$0x8FA0]  }
0x13e: {  	v27 =	vadd.f32 v20, v42;
	v17 =	vadd.f32 v17, v26;
	v26 =	vld [tilespmem:s7+$0x8FB0]  }
0x13f: {  	v29 =	vld [tilespmem:s7+$0xD7A0];
	v20 =	vadd.f32 v16, v31;
	v18 =	vadd.f32 v18, v33  }
0x140: {  	v17 =	vadd.f32 v17, v28;
	v15 =	vadd.f32 v15, v22;
	v22 =	vld [tilespmem:s7+$0x8FC0]  }
0x141: {  	v25 =	vadd.f32 v19, v25;
	v19 =	vadd.f32 v14, v30;
	v28 =	vld [tilespmem:s7+$0xEFA0]  }
0x142: {  	v16 =	vld [tilespmem:s7+$0xD7C0];
	v14 =	vadd.f32 v17, v23;
	v15 =	vadd.f32 v15, v24  }
0x143: {  	v21 =	vadd.f32 v21, v47;
	v17 =	vadd.f32 v25, v26;
	v24 =	vld [tilespmem:s7+$0xEFC0]  }
0x144: {  	v25 =	vld [tilespmem:s7+$0xD7D0];
	v14 =	vadd.f32 v14, v46;
	v15 =	vadd.f32 v15, v29  }
0x145: {  	v23 =	vadd.f32 v17, v41;
	v17 =	vld [tilespmem:s7+$0xD7E0];
	v22 =	vadd.f32 v21, v22  }
0x146: {  	v21 =	vld [tilespmem:s7+$0xEFD0];
	v26 =	vmul.f32 v14, v14;
	v28 =	vadd.f32 v15, v28;
	v15 =	vadd.f32 v27, v37  }
0x147: {  	v27 =	vimm.f32 $0.0e+00;
	v23 =	vadd.f32 v23, v36;
	v29 =	vadd.f32 v22, v16;
	v16 =	vld [tilespmem:s7+$0xEFE0]  }
0x148: {  	[tilespmem:s7+$0x16790] =	vst v14;
	v30 =	vadd.f32 v14, v27;
	v26 =	vadd.f32 v26, v27;
	v22 =	vld [tilespmem:s7+$0xD7F0];
	v31 =	vmul.f32 v28, v28  }
0x149: {  	[tilespmem:s7+$0x167A0] =	vst v28;
	v25 =	vadd.f32 v15, v25;
	v15 =	vld [tilespmem:s7+$0xEFF0];
	v14 =	vadd.f32 v29, v24  }
0x14a: {  	s30 =	simm.s32 $0x0;
	s3 =	simm.s32 $0x1CC40;
	s9 =	smov.u32 s26;
	[tilespmem:s7+$0x167B0] =	vst v23;
	v27 =	vadd.f32 v28, v30;
	v28 =	vmul.f32 v23, v23;
	v24 =	vld [tilespmem:s7+$0xD800];
	v26 =	vadd.f32 v31, v26  }
.LBB2_6:
0x14b: {  	v29 =	vld [tilespmem:s3+$0x30];
	[tilespmem:s7+$0x167C0] =	vst v14;
	v21 =	vadd.f32 v25, v21;
	v17 =	vadd.f32 v18, v17  }
0x14c: {  	v25 =	vmul.f32 v14, v14;
	s25 =	sadd.s32 $0x80, s25;
	v18 =	vadd.f32 v23, v27;
	v23 =	vadd.f32 v28, v26;
	v26 =	vld [tilespmem:s7+$0xF000]  }
0x14d: {  	v27 =	vld [tilespmem:s25+$0x30];
	[tilespmem:s7+$0x167D0] =	vst v21;
	v16 =	vadd.f32 v17, v16;
	v17 =	vadd.f32 v20, v22  }
0x14e: {  	v20 =	vmul.f32 v21, v21;
	v28 =	vld [tilespmem:s3+$0x20];
	v14 =	vadd.f32 v14, v18;
	v18 =	vadd.f32 v25, v23  }
0x14f: {  	v30 =	vld [tilespmem:s25+$0x20];
	[tilespmem:s7+$0x167E0] =	vst v16;
	v15 =	vadd.f32 v17, v15;
	v17 =	vadd.f32 v19, v24  }
0x150: {  	v19 =	vmul.f32 v16, v16;
	v31 =	vld [tilespmem:s3+$0x10];
	v14 =	vadd.f32 v21, v14;
	v18 =	vadd.f32 v20, v18  }
0x151: {  	v32 =	vld [tilespmem:s25+$0x10];
	[tilespmem:s7+$0x167F0] =	vst v15;
	v17 =	vadd.f32 v17, v26  }
0x152: {  	v33 =	vld [tilespmem:s3+$0x0];
	v14 =	vadd.f32 v16, v14;
	v16 =	vadd.f32 v19, v18;
	v18 =	vmul.f32 v15, v15  }
0x153: {  	v34 =	vld [tilespmem:s25+$0x0];
	[tilespmem:s7+$0x16800] =	vst v17  }
0x154: {  	v35 =	vld [tilespmem:s3+$0xFFFFFFF0];
	v14 =	vadd.f32 v15, v14;
	v15 =	vadd.f32 v18, v16;
	v16 =	vmul.f32 v17, v17  }
0x155: {  	v36 =	vld [tilespmem:s25+$0xFFFFFFF0]  }
0x156: {  	v37 =	vld [tilespmem:s3+$0xFFFFFFE0];
	v14 =	vadd.f32 v17, v14;
	v15 =	vadd.f32 v16, v15  }
0x157: {  	v38 =	vld [tilespmem:s25+$0xFFFFFFE0]  }
0x158: {  	v39 =	vld [tilespmem:s3+$0xFFFFFFD0]  }
0x159: {  	v40 =	vld [tilespmem:s25+$0xFFFFFFD0]  }
0x15a: {  	s9 =	sadd.s32 $0x1000, s9;
	v41 =	vld [tilespmem:s3+$0xFFFFFFC0]  }
0x15b: {  	s7 =	sshra.s32 s9, $0x2;
	v42 =	vld [tilespmem:s25+$0xFFFFFFC0]  }
0x15c: {  	v19 =	vld [tilespmem:s7+$0x9000]  }
0x15d: {  	v20 =	vld [tilespmem:s7+$0x8FF0]  }
0x15e: {  	v24 =	vld [tilespmem:s7+$0x7800]  }
0x15f: {  	v18 =	vld [tilespmem:s7+$0x8FE0]  }
0x160: {  	v23 =	vld [tilespmem:s7+$0x77F0]  }
0x161: {  	v43 =	vld [tilespmem:s7+$0x3000]  }
0x162: {  	v16 =	vld [tilespmem:s7+$0xEFB0]  }
0x163: {  	v17 =	vld [tilespmem:s7+$0x8FD0]  }
0x164: {  	v25 =	vld [tilespmem:s7+$0x77E0]  }
0x165: {  	v44 =	vld [tilespmem:s7+$0x2FF0]  }
0x166: {  	v45 =	vld [tilespmem:s7+$0x1800]  }
0x167: {  	v21 =	vld [tilespmem:s7+$0xD7B0]  }
0x168: {  	v26 =	vld [tilespmem:s7+$0x77D0]  }
0x169: {  	v46 =	vld [tilespmem:s7+$0x2FE0]  }
0x16a: {  	v47 =	vld [tilespmem:s7+$0x17F0]  }
0x16b: {  	v48 =	vld [tilespmem:s7+$0xFFFFE800]  }
0x16c: {  	v22 =	vld [tilespmem:s7+$0xEF90]  }
0x16d: {  	v49 =	vld [tilespmem:s7+$0x77C0]  }
0x16e: {  	v50 =	vld [tilespmem:s7+$0x2FD0]  }
0x16f: {  	v51 =	vld [tilespmem:s7+$0x17E0]  }
0x170: {  	v52 =	vld [tilespmem:s7+$0x13800]  }
0x171: {  	v53 =	vld [tilespmem:s7+$0x137F0]  }
0x172: {  	v54 =	vld [tilespmem:s7+$0x137E0]  }
0x173: {  	v55 =	vld [tilespmem:s7+$0x137D0]  }
0x174: {  	v56 =	vld [tilespmem:s7+$0x137C0]  }
0x175: {  	v57 =	vld [tilespmem:s7+$0x137B0]  }
0x176: {  	v58 =	vld [tilespmem:s7+$0x137A0]  }
0x177: {  	v59 =	vld [tilespmem:s7+$0x13790]  }
0x178: {  	v27 =	vmul.f32 v13, v27;
	v30 =	vmul.f32 v13, v30;
	v29 =	vadd.f32 v29, v52;
	v60 =	vld [tilespmem:s7+$0xFFFFE7F0]  }
0x179: {  	v32 =	vmul.f32 v13, v32;
	v28 =	vadd.f32 v28, v53;
	v31 =	vadd.f32 v31, v54;
	v52 =	vld [tilespmem:s7+$0x17D0]  }
0x17a: {  	v34 =	vmul.f32 v13, v34;
	v33 =	vadd.f32 v33, v55;
	v35 =	vadd.f32 v35, v56;
	v53 =	vld [tilespmem:s7+$0xFFFFE7E0]  }
0x17b: {  	v36 =	vmul.f32 v13, v36;
	v37 =	vadd.f32 v37, v57;
	v39 =	vadd.f32 v39, v58;
	v54 =	vld [tilespmem:s7+$0xFFFFE7D0]  }
0x17c: {  	v38 =	vmul.f32 v13, v38;
	v27 =	vadd.f32 v27, v29;
	v41 =	vadd.f32 v41, v59;
	v55 =	vld [tilespmem:s7+$0xFFFFE7C0]  }
0x17d: {  	v29 =	vmul.f32 v13, v40;
	v28 =	vadd.f32 v30, v28;
	v31 =	vadd.f32 v32, v31;
	v40 =	vld [tilespmem:s7+$0xFFFFE7B0]  }
0x17e: {  	s30 =	sadd.s32 $0x8, s30;
	v30 =	vmul.f32 v13, v42;
	v33 =	vadd.f32 v34, v33;
	v35 =	vadd.f32 v36, v35;
	v32 =	vld [tilespmem:s7+$0xFFFFE7A0]  }
0x17f: {  	p1 =	slt.u32 s30, $0x28;
	v36 =	vadd.f32 v38, v37;
	v29 =	vadd.f32 v29, v39;
	v34 =	vld [tilespmem:s7+$0xFFFFE790]  }
0x180: {  	v27 =	vadd.f32 v27, v48;
	v30 =	vadd.f32 v30, v41;
	v37 =	vld [tilespmem:s7+$0x17C0]  }
0x181: {  	v28 =	vadd.f32 v28, v60;
	v31 =	vadd.f32 v31, v53;
	v38 =	vld [tilespmem:s7+$0x17B0]  }
0x182: {  	v33 =	vadd.f32 v33, v54;
	v35 =	vadd.f32 v35, v55;
	v39 =	vld [tilespmem:s7+$0x17A0]  }
0x183: {  	v41 =	vld [tilespmem:s7+$0x1790];
	v29 =	vadd.f32 v29, v32;
	v32 =	vadd.f32 v36, v40  }
0x184: {  	v27 =	vadd.f32 v27, v45;
	v30 =	vadd.f32 v30, v34;
	v34 =	vld [tilespmem:s7+$0x2FC0]  }
0x185: {  	v28 =	vadd.f32 v28, v47;
	v31 =	vadd.f32 v31, v51;
	v36 =	vld [tilespmem:s7+$0x2FB0]  }
0x186: {  	v33 =	vadd.f32 v33, v52;
	v35 =	vadd.f32 v35, v37;
	v40 =	vld [tilespmem:s7+$0x2FA0]  }
0x187: {  	v32 =	vadd.f32 v32, v38;
	v37 =	vld [tilespmem:s7+$0x2F90];
	v29 =	vadd.f32 v29, v39  }
0x188: {  	v27 =	vadd.f32 v27, v43;
	v30 =	vadd.f32 v30, v41;
	v38 =	vld [tilespmem:s7+$0x77B0]  }
0x189: {  	v28 =	vadd.f32 v28, v44;
	v31 =	vadd.f32 v31, v46;
	v39 =	vld [tilespmem:s7+$0x7790]  }
0x18a: {  	v33 =	vadd.f32 v33, v50;
	v34 =	vadd.f32 v35, v34;
	v41 =	vld [tilespmem:s7+$0x8F90]  }
0x18b: {  	v32 =	vadd.f32 v32, v36;
	v29 =	vadd.f32 v29, v40;
	v35 =	vld [tilespmem:s7+$0x77A0]  }
0x18c: {  	v24 =	vadd.f32 v27, v24;
	v30 =	vadd.f32 v30, v37;
	v36 =	vld [tilespmem:s7+$0xD790]  }
0x18d: {  	v23 =	vadd.f32 v28, v23;
	v25 =	vadd.f32 v31, v25;
	v27 =	vld [tilespmem:s7+$0x8FA0]  }
0x18e: {  	v26 =	vadd.f32 v33, v26;
	v28 =	vadd.f32 v30, v39;
	v30 =	vld [tilespmem:s7+$0x8FB0]  }
0x18f: {  	v33 =	vadd.f32 v34, v49;
	v32 =	vadd.f32 v32, v38;
	v31 =	vld [tilespmem:s7+$0xD7A0]  }
0x190: {  	v28 =	vadd.f32 v28, v41;
	v29 =	vadd.f32 v29, v35;
	v34 =	vld [tilespmem:s7+$0x8FC0]  }
0x191: {  	v19 =	vadd.f32 v24, v19;
	v20 =	vadd.f32 v23, v20;
	v35 =	vld [tilespmem:s7+$0xEFA0]  }
0x192: {  	v23 =	vadd.f32 v28, v36;
	v24 =	vadd.f32 v29, v27;
	v27 =	vld [tilespmem:s7+$0xD7C0]  }
0x193: {  	v18 =	vadd.f32 v25, v18;
	v28 =	vadd.f32 v32, v30;
	v29 =	vld [tilespmem:s7+$0xEFC0]  }
0x194: {  	v22 =	vadd.f32 v23, v22;
	v23 =	vadd.f32 v24, v31;
	v24 =	vld [tilespmem:s7+$0xD7D0]  }
0x195: {  	v25 =	vadd.f32 v28, v21;
	v28 =	vadd.f32 v33, v34;
	v21 =	vld [tilespmem:s7+$0xEFD0]  }
.Ltmp1:
0x196: {  	v26 =	vadd.f32 v26, v17;
	[tilespmem:s7+$0x16790] =	vst v22;
	v30 =	vmul.f32 v22, v22;
	v31 =	vadd.f32 v23, v35;
	v17 =	vld [tilespmem:s7+$0xD7E0];
	(pc) =	sbr.rel @p1 .LBB2_6-.Ltmp1, $4  }
0x197: {  	v23 =	vadd.f32 v25, v16;
	v25 =	vadd.f32 v28, v27;
	v16 =	vld [tilespmem:s7+$0xEFE0]  }
0x198: {  	v27 =	vadd.f32 v22, v14;
	v28 =	vadd.f32 v30, v15;
	[tilespmem:s7+$0x167A0] =	vst v31;
	v30 =	vmul.f32 v31, v31;
	v22 =	vld [tilespmem:s7+$0xD7F0]  }
0x199: {  	[tilespmem:s7+$0x167B0] =	vst v23;
	v14 =	vadd.f32 v25, v29;
	v25 =	vadd.f32 v26, v24;
	v15 =	vld [tilespmem:s7+$0xEFF0]  }
0x19a: {  	s3 =	sadd.s32 $0x100, s3;
	v27 =	vadd.f32 v31, v27;
	v26 =	vadd.f32 v30, v28;
	v28 =	vmul.f32 v23, v23;
	v24 =	vld [tilespmem:s7+$0xD800]  }
0x19b: {  	_ = 	snop  }
0x19c: {  	v13 =	vadd.f32 v23, v27  }
0x19d: {  	v21 =	vadd.f32 v25, v21;
	v17 =	vadd.f32 v18, v17  }
0x19e: {  	v25 =	vld [tilespmem:s7+$0xF000];
	v18 =	vadd.f32 v28, v26;
	v23 =	vmul.f32 v14, v14;
	v13 =	vadd.f32 v14, v13  }
0x19f: {  	v16 =	vadd.f32 v17, v16;
	v17 =	vadd.f32 v20, v22  }
0x1a0: {  	v20 =	vmul.f32 v21, v21;
	v18 =	vadd.f32 v23, v18;
	v13 =	vadd.f32 v21, v13  }
0x1a1: {  	v15 =	vadd.f32 v17, v15;
	v17 =	vadd.f32 v19, v24  }
0x1a2: {  	v19 =	vmul.f32 v16, v16;
	v18 =	vadd.f32 v20, v18;
	v13 =	vadd.f32 v16, v13  }
0x1a3: {  	v17 =	vadd.f32 v17, v25  }
0x1a4: {  	v18 =	vadd.f32 v19, v18;
	v19 =	vmul.f32 v15, v15;
	v13 =	vadd.f32 v15, v13;
	_ =	sdelay $0x1  }
0x1a5: {  	v18 =	vadd.f32 v19, v18;
	v19 =	vmul.f32 v17, v17;
	v13 =	vadd.f32 v17, v13;
	_ =	sdelay $0x1  }
0x1a6: {  	v18 =	vadd.f32 v19, v18;
	(xrf2) =	vadd.scan.msk.f32 $0xffff, v13;
	_ =	sdelay $0x1  }
0x1a7: {  	(xrf2) =	vadd.scan.msk.f32 $0xffff, v18;
	_ =	sdelay $0x7  }
0x1a8: {  	v13, _, _ =	vpop (xrf2)  }
0x1a9: {  	v13 =	vmul.f32 $1.302083370e-03, v13  }
0x1aa: {  	v18, _, _ =	vpop (xrf2)  }
0x1ab: {  	v18 =	vmul.f32 $1.302083370e-03, v18;
	v19 =	vmul.f32 v13, v13;
	_ =	sdelay $0x1  }
0x1ac: {  	v18 =	vsub.f32 v18, v19;
	_ =	sdelay $0x1  }
0x1ad: {  	v18 =	vadd.f32 $9.999999740e-06, v18;
	_ =	sdelay $0x1  }
0x1ae: {  	v18 =	vbroadcast v18, $0xF;
	_ =	sdelay $0x1  }
0x1af: {  	v19 =	vshra.s32 v18, $0x1;
	v18 =	vmul.f32 $5.000000000e-01, v18  }
0x1b0: {  	v19 =	vsub.s32 $0x5F3759DF, v19  }
0x1b1: {  	v20 =	vmul.f32 v19, v18;
	_ =	sdelay $0x1  }
0x1b2: {  	v20 =	vmul.f32 v19, v20;
	_ =	sdelay $0x1  }
0x1b3: {  	v20 =	vsub.f32 $1.500000000e+00, v20;
	_ =	sdelay $0x1  }
0x1b4: {  	v19 =	vmul.f32 v19, v20  }
0x1b5: {  	[tilespmem:s7+$0x167C0] =	vst v14  }
0x1b6: {  	[tilespmem:s7+$0x167D0] =	vst v21;
	v14 =	vmul.f32 v19, v18  }
0x1b7: {  	[tilespmem:s7+$0x167E0] =	vst v16  }
0x1b8: {  	[tilespmem:s7+$0x167F0] =	vst v15;
	v14 =	vmul.f32 v14, v19  }
0x1b9: {  	[tilespmem:s7+$0x16800] =	vst v17  }
0x1ba: {  	v15 =	vld [tilespmem:s4+$0x30];
	v14 =	vsub.f32 $1.500000000e+00, v14  }
0x1bb: {  	v16 =	vld [tilespmem:s4+$0xFFFFFFD0]  }
0x1bc: {  	s7 =	simm.s32 $0x1D740;
	v21 =	vld [tilespmem:s4+$0x0];
	v14 =	vmul.f32 v14, v19  }
0x1bd: {  	v22 =	vld [tilespmem:s7+$0x30]  }
0x1be: {  	v23 =	vld [tilespmem:s4+$0x10];
	v18 =	vmul.f32 v14, v18  }
0x1bf: {  	v25 =	vld [tilespmem:s4+$0x20]  }
0x1c0: {  	s3 =	simm.s32 $0x1D440;
	v26 =	vld [tilespmem:s4+$0xFFFFFFC0];
	v18 =	vmul.f32 v18, v14  }
0x1c1: {  	v27 =	vld [tilespmem:s3+$0xFFFFFFE0]  }
0x1c2: {  	v63 =	vld [tilespmem:s3+$0xFFFFFFF0];
	v24 =	vsub.f32 $0.0e+00, v13;
	v18 =	vsub.f32 $1.500000000e+00, v18  }
0x1c3: {  	v29 =	vld [tilespmem:s3+$0x0]  }
0x1c4: {  	v17 =	vld [tilespmem:s4+$0xFFFFFFE0];
	v13 =	vmul.f32 v18, v14;
	v14 =	vbroadcast v24, $0xF  }
0x1c5: {  	v20 =	vld [tilespmem:s3+$0x30]  }
0x1c6: {  	v19 =	vld [tilespmem:s4+$0xFFFFFFF0];
	v14 =	vmul.f32 v13, v14;
	v15 =	vmul.f32 v15, v13  }
0x1c7: {  	v30 =	vld [tilespmem:s3+$0x10]  }
0x1c8: {  	v18 =	vld [tilespmem:s3+$0xFFFFFFC0];
	v15 =	vadd.f32 v15, v14  }
0x1c9: {  	v24 =	vld [tilespmem:s3+$0xFFFFFFD0];
	v16 =	vmul.f32 v16, v13;
	v17 =	vmul.f32 v17, v13  }
0x1ca: {  	v31 =	vld [tilespmem:s3+$0x20];
	v15 =	vmul.f32 v15, v20;
	v20 =	vmul.f32 v26, v13  }
0x1cb: {  	v19 =	vmul.f32 v19, v13;
	v21 =	vmul.f32 v21, v13;
	v16 =	vadd.f32 v16, v14;
	v26 =	vld [tilespmem:s7+$0xFFFFFFC0]  }
0x1cc: {  	v33 =	vld [tilespmem:s7+$0xFFFFFFD0];
	v32 =	vadd.f32 v15, v22;
	v15 =	vmul.f32 v23, v13;
	v23 =	vadd.f32 v20, v14  }
0x1cd: {  	v17 =	vadd.f32 v17, v14;
	v19 =	vadd.f32 v19, v14;
	v22 =	vmul.f32 v25, v13;
	v20 =	vld [tilespmem:s7+$0xFFFFFFE0]  }
0x1ce: {  	v24 =	vmul.f32 v16, v24;
	v16 =	vadd.f32 v21, v14;
	v21 =	vld [tilespmem:s7+$0xFFFFFFF0];
	v25 =	vmul.f32 v23, v18  }
0x1cf: {  	v17 =	vmul.f32 v17, v27;
	v15 =	vadd.f32 v15, v14;
	v27 =	vadd.f32 v22, v14;
	v22 =	vld [tilespmem:s7+$0x0]  }
0x1d0: {  	v19 =	vmul.f32 v19, v63;
	v18 =	vmul.f32 v16, v29;
	v23 =	vld [tilespmem:s7+$0x10];
	v26 =	vadd.f32 v25, v26  }
0x1d1: {  	s25 =	simm.s32 $0x0;
	s30 =	sadd.s32 $0x400, s4;
	s9 =	smov.u32 s4;
	[tilespmem:s4+$0x30] =	vst v32;
	v15 =	vmul.f32 v15, v30;
	v16 =	vmul.f32 v27, v31;
	v25 =	vadd.f32 v24, v33;
	v24 =	vld [tilespmem:s7+$0x20]  }
.LBB2_8:
0x1d2: {  	v27 =	vld [tilespmem:s30+$0x30];
	s25 =	sadd.s32 $0x8, s25;
	[tilespmem:s9+$0xFFFFFFC0] =	vst v26;
	v17 =	vadd.f32 v17, v20  }
0x1d3: {  	v20 =	vld [tilespmem:s30+$0xFFFFFFD0];
	p1 =	slt.u32 s25, $0x28;
	[tilespmem:s9+$0xFFFFFFD0] =	vst v25;
	v19 =	vadd.f32 v19, v21  }
0x1d4: {  	v21 =	vld [tilespmem:s30+$0xFFFFFFE0];
	[tilespmem:s9+$0xFFFFFFE0] =	vst v17;
	v17 =	vadd.f32 v18, v22  }
0x1d5: {  	s3 =	sadd.s32 $0x80, s3;
	v18 =	vld [tilespmem:s30+$0xFFFFFFF0];
	[tilespmem:s9+$0xFFFFFFF0] =	vst v19;
	v15 =	vadd.f32 v15, v23  }
0x1d6: {  	v19 =	vld [tilespmem:s3+$0x30];
	[tilespmem:s9+$0x0] =	vst v17;
	v16 =	vadd.f32 v16, v24  }
0x1d7: {  	s7 =	sadd.s32 $0x80, s7;
	v17 =	vld [tilespmem:s30+$0x0];
	v22 =	vmul.f32 v27, v13;
	[tilespmem:s9+$0x10] =	vst v15  }
0x1d8: {  	v15 =	vmul.f32 v20, v13;
	v20 =	vld [tilespmem:s7+$0x30];
	[tilespmem:s9+$0x20] =	vst v16;
	s9 =	smov.u32 s30  }
0x1d9: {  	v16 =	vmul.f32 v21, v13;
	v21 =	vld [tilespmem:s30+$0x10];
	v22 =	vadd.f32 v22, v14  }
0x1da: {  	v15 =	vadd.f32 v15, v14;
	v18 =	vmul.f32 v18, v13;
	v23 =	vld [tilespmem:s30+$0x20]  }
0x1db: {  	v24 =	vld [tilespmem:s30+$0xFFFFFFC0];
	v16 =	vadd.f32 v16, v14;
	v19 =	vmul.f32 v22, v19  }
0x1dc: {  	v22 =	vld [tilespmem:s3+$0xFFFFFFC0];
	v18 =	vadd.f32 v18, v14;
	v17 =	vmul.f32 v17, v13  }
0x1dd: {  	v25 =	vld [tilespmem:s3+$0xFFFFFFD0];
	v19 =	vadd.f32 v19, v20  }
0x1de: {  	v20 =	vld [tilespmem:s3+$0xFFFFFFE0];
	v26 =	vadd.f32 v17, v14;
	v17 =	vmul.f32 v21, v13  }
0x1df: {  	v21 =	vld [tilespmem:s3+$0xFFFFFFF0];
	v23 =	vmul.f32 v23, v13;
	[tilespmem:s30+$0x30] =	vst v19  }
0x1e0: {  	v19 =	vmul.f32 v24, v13;
	v24 =	vld [tilespmem:s3+$0x0];
	v27 =	vadd.f32 v17, v14  }
0x1e1: {  	v28 =	vld [tilespmem:s3+$0x10];
	v23 =	vadd.f32 v23, v14  }
0x1e2: {  	v19 =	vadd.f32 v19, v14;
	v25 =	vmul.f32 v15, v25;
	v29 =	vld [tilespmem:s3+$0x20]  }
0x1e3: {  	v30 =	vld [tilespmem:s7+$0xFFFFFFC0];
	v17 =	vmul.f32 v16, v20  }
0x1e4: {  	v31 =	vmul.f32 v19, v22;
	v32 =	vld [tilespmem:s7+$0xFFFFFFD0];
	v19 =	vmul.f32 v18, v21  }
.Ltmp2:
0x1e5: {  	v20 =	vld [tilespmem:s7+$0xFFFFFFE0];
	v18 =	vmul.f32 v26, v24;
	(pc) =	sbr.rel @p1 .LBB2_8-.Ltmp2, $4  }
0x1e6: {  	v21 =	vld [tilespmem:s7+$0xFFFFFFF0];
	v15 =	vmul.f32 v27, v28  }
0x1e7: {  	v22 =	vld [tilespmem:s7+$0x0];
	v16 =	vmul.f32 v23, v29  }
0x1e8: {  	v26 =	vadd.f32 v31, v30;
	v23 =	vld [tilespmem:s7+$0x10]  }
0x1e9: {  	s30 =	sadd.s32 $0x400, s30;
	v25 =	vadd.f32 v25, v32;
	v24 =	vld [tilespmem:s7+$0x20]  }
0x1ea: {  	[tilespmem:s9+$0xFFFFFFC0] =	vst v26;
	v13 =	vadd.f32 v17, v20;
	s6 =	sadd.s32 $0x1, s6  }
0x1eb: {  	[tilespmem:s9+$0xFFFFFFD0] =	vst v25;
	v14 =	vadd.f32 v19, v21;
	p1 =	sne.s32 s6, $0x8  }
.Ltmp3:
0x1ec: {  	[tilespmem:s9+$0xFFFFFFE0] =	vst v13;
	v13 =	vadd.f32 v18, v22;
	(pc) =	sbr.rel @p1 .LBB2_5-.Ltmp3, $4  }
0x1ed: {  	[tilespmem:s9+$0xFFFFFFF0] =	vst v14;
	v14 =	vadd.f32 v15, v23  }
0x1ee: {  	[tilespmem:s9+$0x0] =	vst v13;
	v13 =	vadd.f32 v16, v24  }
0x1ef: {  	[tilespmem:s9+$0x10] =	vst v14  }
0x1f0: {  	s26 =	sadd.s32 $0x200, s26;
	s4 =	sadd.s32 $0x80, s4;
	[tilespmem:s9+$0x20] =	vst v13  }
0x1f1: {  	s3 =	sor.u32 s12, s24;
	p1 =	seq.s32 s14, $0x3F  }
.Ltmp4:
0x1f2: {  	s3 =	sshrl.u32 s3, $0x3;
	(pc) =	sbr.rel @p1 .LBB2_12-.Ltmp4, $3  }
0x1f3: {  	s3 =	smul.u32 $0x300, s3;
	_ =	sdelay $0x1  }
0x1f4: {  	s4 =	simm.s32 $0x18000;
	s3 =	sadd.s32 s8, s3  }
0x1f5: {  	[hbm4b:s3+s10] =	stream.linear.scatter [tilespmem:s4], [sflag:$0x3], $0x1800, $0x38;
	[tilespmem:$0x1DA00] =	vst v63  }
0x1f6: {  	s3 =	sadd.s32 $0x10, s24  }
0x1f7: {  	v13 =	vmov s3  }
0x1f8: {  	v13 =	vshll.u32 v13, $0x2  }
0x1f9: {  	v13 =	vor.u32 v9, v13  }
0x1fa: {  	v14 =	vor.u32 v6, v13;
	_ =	sdelay $0x4  }
0x1fb: {  	v14 =	vld.idx.msk [tilespmem:v14+s28+$0x0], $0xffff  }
0x1fc: {  	v15 =	vor.u32 v10, v13;
	_ =	sdelay $0x3  }
0x1fd: {  	[tilespmem:$0x1C800] =	vst v14  }
0x1fe: {  	v14 =	vld.idx.msk [tilespmem:v15+s28+$0x0], $0xffff  }
0x1ff: {  	v15 =	vor.u32 v11, v13  }
0x200: {  	v13 =	vor.u32 v12, v13;
	_ =	sdelay $0x2  }
0x201: {  	[tilespmem:$0x1C900] =	vst v14  }
0x202: {  	v14 =	vld.idx.msk [tilespmem:v15+s28+$0x0], $0xffff  }
0x203: {  	v13 =	vld.idx.msk [tilespmem:v13+s28+$0x0], $0xffff;
	_ =	sdelay $0x4  }
0x204: {  	v13 =	vsub.s32 v14, v13  }
0x205: {  	v13 =	vadd.s32 v4, v13  }
0x206: {  	[tilespmem:$0x1CA00] =	vst v13  }
0x207: {  	v13 =	vld.msk [tilespmem:s24+$0x1B010], $0xff;
	_ =	sdelay $0x4  }
0x208: {  	v14 =	vshrl.u32 v13, $0x3  }
0x209: {  	v14 =	vmul.u32 $0x30, v14  }
0x20a: {  	v13 =	vand.u32 $0x7, v13  }
0x20b: {  	v13 =	vor.u32 v13, v14  }
0x20c: {  	v13 =	vperm.xlane v13, v5;
	_ =	sdelay $0x1  }
0x20d: {  	v13 =	vadd.s32 v7, v13;
	_ =	sdelay $0x4  }
0x20e: {  	[tilespmem:s10], [sflag:$0x1] =	stream.indirect_vreg.gather [hbm4b:s0+s10], $0x80, v13, vm0, $0xb8;
	[tilespmem:$0x1DA00] =	vst v63  }
0x20f: {  	s4 =	simm.s32 $0x800  }
0x210: {  	[tilespmem:s4], [sflag:$0x1] =	stream.indirect_vreg.gather [hbm4b:s16+s10], $0x80, v13, vm0, $0xb8;
	[tilespmem:$0x1DA00] =	vst v63  }
0x211: {  	s7 =	simm.s32 $0x1000  }
0x212: {  	[tilespmem:s7], [sflag:$0x1] =	stream.indirect_vreg.gather [hbm4b:s17+s10], $0x80, v13, vm0, $0xb8;
	[tilespmem:$0x1DA00] =	vst v63  }
0x213: {  	v13 =	vld [tilespmem:$0x1C800];
	_ =	sdelay $0x4  }
0x214: {  	v14 =	vshrl.u32 v13, $0x3  }
0x215: {  	v14 =	vmul.u32 $0x30, v14  }
0x216: {  	v13 =	vand.u32 $0x7, v13  }
0x217: {  	v13 =	vor.u32 v13, v14  }
0x218: {  	v14 =	vperm.xlane v13, v5;
	_ =	sdelay $0x1  }
0x219: {  	v14 =	vadd.s32 v7, v14;
	_ =	sdelay $0x3  }
0x21a: {  	s9 =	simm.s32 $0x3000;
	v13 =	vperm.xlane v13, v8  }
0x21b: {  	[tilespmem:s9], [sflag:$0x1] =	stream.indirect_vreg.gather [hbm4b:s1+s10], $0x80, v14, vm0, $0xb8;
	[tilespmem:$0x1DA00] =	vst v63  }
0x21c: {  	s24 =	simm.s32 $0x3800;
	v13 =	vadd.s32 v7, v13  }
0x21d: {  	[tilespmem:s24], [sflag:$0x1] =	stream.indirect_vreg.gather [hbm4b:s18+s10], $0x80, v14, vm0, $0xb8;
	[tilespmem:$0x1DA00] =	vst v63  }
0x21e: {  	s25 =	simm.s32 $0x4000  }
0x21f: {  	[tilespmem:s25], [sflag:$0x1] =	stream.indirect_vreg.gather [hbm4b:s19+s10], $0x80, v14, vm0, $0xb8;
	[tilespmem:$0x1DA00] =	vst v63  }
0x220: {  	s26 =	simm.s32 $0x4800  }
0x221: {  	[tilespmem:s26], [sflag:$0x1] =	stream.indirect_vreg.gather [hbm4b:s1+s10], $0x80, v13, vm0, $0xb8;
	[tilespmem:$0x1DA00] =	vst v63  }
0x222: {  	s30 =	simm.s32 $0x5000  }
0x223: {  	[tilespmem:s30], [sflag:$0x1] =	stream.indirect_vreg.gather [hbm4b:s18+s10], $0x80, v13, vm0, $0xb8;
	[tilespmem:$0x1DA00] =	vst v63  }
0x224: {  	s6 =	simm.s32 $0x5800  }
0x225: {  	[tilespmem:s6], [sflag:$0x1] =	stream.indirect_vreg.gather [hbm4b:s19+s10], $0x80, v13, vm0, $0xb8;
	[tilespmem:$0x1DA00] =	vst v63  }
0x226: {  	v13 =	vld [tilespmem:$0x1C900];
	_ =	sdelay $0x4  }
0x227: {  	v14 =	vshrl.u32 v13, $0x3  }
0x228: {  	v14 =	vmul.u32 $0x30, v14  }
0x229: {  	v13 =	vand.u32 $0x7, v13  }
0x22a: {  	v13 =	vor.u32 v13, v14  }
0x22b: {  	v14 =	vperm.xlane v13, v5;
	_ =	sdelay $0x1  }
0x22c: {  	v14 =	vadd.s32 v7, v14;
	_ =	sdelay $0x3  }
0x22d: {  	s7 =	simm.s32 $0x9000;
	v13 =	vperm.xlane v13, v8  }
0x22e: {  	[tilespmem:s7], [sflag:$0x1] =	stream.indirect_vreg.gather [hbm4b:s2+s10], $0x80, v14, vm0, $0xb8;
	[tilespmem:$0x1DA00] =	vst v63  }
0x22f: {  	s9 =	simm.s32 $0x9800;
	v13 =	vadd.s32 v7, v13  }
0x230: {  	[tilespmem:s9], [sflag:$0x1] =	stream.indirect_vreg.gather [hbm4b:s20+s10], $0x80, v14, vm0, $0xb8;
	[tilespmem:$0x1DA00] =	vst v63  }
0x231: {  	s24 =	simm.s32 $0xA000  }
0x232: {  	[tilespmem:s24], [sflag:$0x1] =	stream.indirect_vreg.gather [hbm4b:s21+s10], $0x80, v14, vm0, $0xb8;
	[tilespmem:$0x1DA00] =	vst v63  }
0x233: {  	s25 =	simm.s32 $0xA800  }
0x234: {  	[tilespmem:s25], [sflag:$0x1] =	stream.indirect_vreg.gather [hbm4b:s2+s10], $0x80, v13, vm0, $0xb8;
	[tilespmem:$0x1DA00] =	vst v63  }
0x235: {  	s26 =	simm.s32 $0xB000  }
0x236: {  	[tilespmem:s26], [sflag:$0x1] =	stream.indirect_vreg.gather [hbm4b:s20+s10], $0x80, v13, vm0, $0xb8;
	[tilespmem:$0x1DA00] =	vst v63  }
0x237: {  	s30 =	simm.s32 $0xB800  }
0x238: {  	[tilespmem:s30], [sflag:$0x1] =	stream.indirect_vreg.gather [hbm4b:s21+s10], $0x80, v13, vm0, $0xb8;
	[tilespmem:$0x1DA00] =	vst v63  }
0x239: {  	v13 =	vld [tilespmem:$0x1CA00];
	_ =	sdelay $0x4  }
0x23a: {  	v14 =	vshrl.u32 v13, $0x3  }
0x23b: {  	v14 =	vmul.u32 $0x30, v14  }
0x23c: {  	v13 =	vand.u32 $0x7, v13  }
0x23d: {  	v13 =	vor.u32 v13, v14  }
0x23e: {  	v14 =	vperm.xlane v13, v5;
	_ =	sdelay $0x1  }
0x23f: {  	v14 =	vadd.s32 v7, v14;
	_ =	sdelay $0x3  }
0x240: {  	s6 =	simm.s32 $0xF000;
	v13 =	vperm.xlane v13, v8  }
0x241: {  	[tilespmem:s6], [sflag:$0x1] =	stream.indirect_vreg.gather [hbm4b:s11+s10], $0x80, v14, vm0, $0xb8;
	[tilespmem:$0x1DA00] =	vst v63  }
0x242: {  	s7 =	simm.s32 $0xF800;
	v13 =	vadd.s32 v7, v13  }
0x243: {  	[tilespmem:s7], [sflag:$0x1] =	stream.indirect_vreg.gather [hbm4b:s22+s10], $0x80, v14, vm0, $0xb8;
	[tilespmem:$0x1DA00] =	vst v63  }
0x244: {  	s9 =	simm.s32 $0x10000  }
0x245: {  	[tilespmem:s9], [sflag:$0x1] =	stream.indirect_vreg.gather [hbm4b:s23+s10], $0x80, v14, vm0, $0xb8;
	[tilespmem:$0x1DA00] =	vst v63  }
0x246: {  	s3 =	sshrl.u32 s3, $0x3;
	s24 =	simm.s32 $0x10800  }
0x247: {  	[tilespmem:s24], [sflag:$0x1] =	stream.indirect_vreg.gather [hbm4b:s11+s10], $0x80, v13, vm0, $0xb8;
	[tilespmem:$0x1DA00] =	vst v63  }
0x248: {  	s3 =	sand.u32 $0x3E, s3;
	s25 =	simm.s32 $0x11000  }
0x249: {  	[tilespmem:s25], [sflag:$0x1] =	stream.indirect_vreg.gather [hbm4b:s22+s10], $0x80, v13, vm0, $0xb8;
	[tilespmem:$0x1DA00] =	vst v63  }
0x24a: {  	s3 =	smul.u32 $0x300, s3;
	s26 =	simm.s32 $0x11800  }
0x24b: {  	[tilespmem:s26], [sflag:$0x1] =	stream.indirect_vreg.gather [hbm4b:s23+s10], $0x80, v13, vm0, $0xb8;
	[tilespmem:$0x1DA00] =	vst v63  }
0x24c: {  	s3 =	sadd.s32 s5, s3;
	s30 =	simm.s32 $0x15000  }
0x24d: {  	[tilespmem:s30], [sflag:$0x1] =	stream.linear.gather [hbm4b:s3+s10], $0x1800, $0x38;
	[tilespmem:$0x1DA00] =	vst v63  }
.LBB2_12:
0x24e: {  	_ =	swait.ge [sflag:s13], $0x1800  }
0x24f: {  	[sflag:s13] =	ssyncset.done $0x0  }
0x250: {  	[sflag:s13] =	ssyncadd.s32 $0xFFFFE800  }
0x251: {  	_ =	swait.ge [sflag:s13], $0x3000  }
0x252: {  	[sflag:s13] =	ssyncset.done $0x0  }
0x253: {  	[sflag:s13] =	ssyncadd.s32 $0xFFFFD000  }
0x254: {  	_ =	swait.ge [sflag:s13], $0x3000  }
0x255: {  	[sflag:s13] =	ssyncset.done $0x0  }
0x256: {  	[sflag:s13] =	ssyncadd.s32 $0xFFFFD000  }
0x257: {  	_ =	swait.ge [sflag:s13], $0x3000  }
0x258: {  	[sflag:s13] =	ssyncset.done $0x0  }
0x259: {  	[sflag:s13] =	ssyncadd.s32 $0xFFFFD000  }
0x25a: {  	_ =	swait.ge [sflag:s13], $0x1800  }
0x25b: {  	[sflag:s13] =	ssyncset.done $0x0  }
0x25c: {  	s3 =	simm.s32 @!p0 $0x4;
	[sflag:s13] =	ssyncadd.s32 $0xFFFFE800  }
0x25d: {  	_ =	swait.ge @!p0 [sflag:s3], $0x1800  }
0x25e: {  	s9 =	simm.s32 $0x0;
	[sflag:s3] =	ssyncset.done @!p0 $0x0  }
0x25f: {  	s4 =	simm.s32 $0x61C0;
	s6 =	simm.s32 $0x19840;
	[sflag:s3] =	ssyncadd.s32 @!p0 $0xFFFFE800  }
.LBB2_13:
0x260: {  	s30 =	simm.s32 $0x1CB40  }
0x261: {  	s24 =	simm.s32 $0x1D140;
	v14 =	vld [tilespmem:s30+$0x30]  }
0x262: {  	v15 =	vld [tilespmem:s24+$0x30]  }
0x263: {  	v16 =	vld [tilespmem:s30+$0x20]  }
0x264: {  	v17 =	vld [tilespmem:s24+$0x20]  }
0x265: {  	v18 =	vld [tilespmem:s30+$0x10]  }
0x266: {  	v19 =	vld [tilespmem:s24+$0x10]  }
0x267: {  	v20 =	vld [tilespmem:s30+$0x0]  }
0x268: {  	v21 =	vld [tilespmem:s24+$0x0]  }
0x269: {  	v22 =	vld [tilespmem:s30+$0xFFFFFFF0]  }
0x26a: {  	v23 =	vld [tilespmem:s24+$0xFFFFFFF0]  }
0x26b: {  	v24 =	vld [tilespmem:s30+$0xFFFFFFE0]  }
0x26c: {  	v25 =	vld [tilespmem:s24+$0xFFFFFFE0]  }
0x26d: {  	v26 =	vld [tilespmem:s30+$0xFFFFFFD0]  }
0x26e: {  	v27 =	vld [tilespmem:s24+$0xFFFFFFD0]  }
0x26f: {  	v28 =	vld [tilespmem:s30+$0xFFFFFFC0]  }
0x270: {  	s7 =	sshra.s32 s4, $0x2;
	v29 =	vld [tilespmem:s24+$0xFFFFFFC0]  }
0x271: {  	v30 =	vld [tilespmem:s7+$0xC000]  }
0x272: {  	v31 =	vld [tilespmem:s7+$0xBFF0]  }
0x273: {  	v32 =	vld [tilespmem:s7+$0xA800]  }
0x274: {  	v33 =	vld [tilespmem:s7+$0xBFE0]  }
0x275: {  	v34 =	vld [tilespmem:s7+$0xA7F0]  }
0x276: {  	v35 =	vld [tilespmem:s7+$0x6000]  }
0x277: {  	v36 =	vld [tilespmem:s7+$0x11FB0]  }
0x278: {  	v37 =	vld [tilespmem:s7+$0xBFD0]  }
0x279: {  	v38 =	vld [tilespmem:s7+$0xA7E0]  }
0x27a: {  	v39 =	vld [tilespmem:s7+$0x5FF0]  }
0x27b: {  	v40 =	vld [tilespmem:s7+$0x4800]  }
0x27c: {  	v41 =	vld [tilespmem:s7+$0x107B0]  }
0x27d: {  	v42 =	vld [tilespmem:s7+$0xA7D0]  }
0x27e: {  	v43 =	vld [tilespmem:s7+$0x5FE0]  }
0x27f: {  	v44 =	vld [tilespmem:s7+$0x47F0]  }
0x280: {  	v45 =	vld [tilespmem:s7+$0x0]  }
0x281: {  	v46 =	vld [tilespmem:s7+$0x11F90]  }
0x282: {  	v47 =	vld [tilespmem:s7+$0xA7C0]  }
0x283: {  	s3 =	sor.u32 s15, s9;
	v48 =	vld [tilespmem:s7+$0x5FD0]  }
0x284: {  	v13 =	vmov s3;
	v50 =	vld [tilespmem:s7+$0x15000]  }
0x285: {  	v51 =	vld [tilespmem:s7+$0x14FF0]  }
0x286: {  	v52 =	vld [tilespmem:s7+$0x14FE0]  }
0x287: {  	v53 =	vld [tilespmem:s7+$0x14FD0]  }
0x288: {  	v54 =	vld [tilespmem:s7+$0x14FC0]  }
0x289: {  	v13 =	vld.idx.msk [tilespmem:v13+s29+$0x0], $0xffff  }
0x28a: {  	v56 =	vld [tilespmem:s7+$0x14FA0]  }
0x28b: {  	v55 =	vld [tilespmem:s7+$0x14FB0]  }
0x28c: {  	v57 =	vld [tilespmem:s7+$0x14F90]  }
0x28d: {  	v49 =	vld [tilespmem:s7+$0x47E0];
	v14 =	vadd.f32 v14, v50;
	v18 =	vadd.f32 v18, v52  }
0x28e: {  	v58 =	vld [tilespmem:s7+$0xFFFFFFF0];
	v16 =	vadd.f32 v16, v51;
	v22 =	vadd.f32 v22, v54;
	v13 =	vcvt.s32.f32 v13  }
0x28f: {  	v60 =	vld [tilespmem:s7+$0x47D0];
	v20 =	vadd.f32 v20, v53;
	v26 =	vadd.f32 v26, v56  }
0x290: {  	v61 =	vld [tilespmem:s7+$0xFFFFFFE0];
	v24 =	vadd.f32 v24, v55;
	v17 =	vmul.f32 v13, v17;
	v15 =	vmul.f32 v13, v15  }
0x291: {  	v62 =	vld [tilespmem:s7+$0xFFFFFFD0];
	v28 =	vadd.f32 v28, v57;
	v19 =	vmul.f32 v13, v19;
	v21 =	vmul.f32 v13, v21  }
0x292: {  	v63 =	vld [tilespmem:s7+$0xFFFFFFC0];
	v23 =	vmul.f32 v13, v23;
	v25 =	vmul.f32 v13, v25;
	v14 =	vadd.f32 v15, v14  }
0x293: {  	v15 =	vmul.f32 v13, v27;
	v27 =	vld [tilespmem:s7+$0xFFFFFFB0];
	v18 =	vadd.f32 v19, v18;
	v16 =	vadd.f32 v17, v16  }
0x294: {  	v17 =	vmul.f32 v13, v29;
	v19 =	vld [tilespmem:s7+$0xFFFFFFA0];
	v22 =	vadd.f32 v23, v22;
	v20 =	vadd.f32 v21, v20  }
0x295: {  	v21 =	vld [tilespmem:s7+$0xFFFFFF90];
	v23 =	vadd.f32 v25, v24;
	v15 =	vadd.f32 v15, v26  }
0x296: {  	v24 =	vld [tilespmem:s7+$0x47C0];
	v17 =	vadd.f32 v17, v28;
	v14 =	vadd.f32 v14, v45  }
0x297: {  	v25 =	vld [tilespmem:s7+$0x47B0];
	v18 =	vadd.f32 v18, v61;
	v16 =	vadd.f32 v16, v58  }
0x298: {  	v26 =	vld [tilespmem:s7+$0x47A0];
	v22 =	vadd.f32 v22, v63;
	v20 =	vadd.f32 v20, v62  }
0x299: {  	v28 =	vld [tilespmem:s7+$0x4790];
	v14 =	vadd.f32 v14, v40;
	v18 =	vadd.f32 v18, v49  }
0x29a: {  	v16 =	vadd.f32 v16, v44;
	v17 =	vadd.f32 v17, v21;
	v21 =	vld [tilespmem:s7+$0x5FC0]  }
0x29b: {  	v15 =	vadd.f32 v15, v19;
	v19 =	vadd.f32 v23, v27;
	v23 =	vld [tilespmem:s7+$0x5FB0]  }
0x29c: {  	v20 =	vadd.f32 v20, v60;
	v27 =	vld [tilespmem:s7+$0x5FA0];
	v22 =	vadd.f32 v22, v24  }
0x29d: {  	v24 =	vld [tilespmem:s7+$0x5F90];
	v14 =	vadd.f32 v14, v35;
	v18 =	vadd.f32 v18, v43  }
0x29e: {  	v16 =	vadd.f32 v16, v39;
	v19 =	vadd.f32 v19, v25;
	v25 =	vld [tilespmem:s7+$0xA7B0]  }
0x29f: {  	v20 =	vadd.f32 v20, v48;
	v15 =	vadd.f32 v15, v26;
	v26 =	vld [tilespmem:s7+$0xA790]  }
0x2a0: {  	v17 =	vadd.f32 v17, v28;
	v28 =	vld [tilespmem:s7+$0xBF90];
	v14 =	vadd.f32 v14, v32  }
0x2a1: {  	v18 =	vadd.f32 v18, v38;
	v21 =	vadd.f32 v22, v21;
	v22 =	vld [tilespmem:s7+$0xA7A0]  }
0x2a2: {  	v19 =	vadd.f32 v19, v23;
	v17 =	vadd.f32 v17, v24;
	v23 =	vld [tilespmem:s7+$0x10790]  }
0x2a3: {  	v16 =	vadd.f32 v16, v34;
	v15 =	vadd.f32 v15, v27;
	v24 =	vld [tilespmem:s7+$0xBFA0]  }
0x2a4: {  	v27 =	vadd.f32 v20, v42;
	v17 =	vadd.f32 v17, v26;
	v26 =	vld [tilespmem:s7+$0xBFB0]  }
0x2a5: {  	v29 =	vld [tilespmem:s7+$0x107A0];
	v20 =	vadd.f32 v16, v31;
	v18 =	vadd.f32 v18, v33  }
0x2a6: {  	v17 =	vadd.f32 v17, v28;
	v15 =	vadd.f32 v15, v22;
	v22 =	vld [tilespmem:s7+$0xBFC0]  }
0x2a7: {  	v25 =	vadd.f32 v19, v25;
	v19 =	vadd.f32 v14, v30;
	v28 =	vld [tilespmem:s7+$0x11FA0]  }
0x2a8: {  	v16 =	vld [tilespmem:s7+$0x107C0];
	v14 =	vadd.f32 v17, v23;
	v15 =	vadd.f32 v15, v24  }
0x2a9: {  	v21 =	vadd.f32 v21, v47;
	v17 =	vadd.f32 v25, v26;
	v24 =	vld [tilespmem:s7+$0x11FC0]  }
0x2aa: {  	v25 =	vld [tilespmem:s7+$0x107D0];
	v14 =	vadd.f32 v14, v46;
	v15 =	vadd.f32 v15, v29  }
0x2ab: {  	v23 =	vadd.f32 v17, v41;
	v17 =	vld [tilespmem:s7+$0x107E0];
	v22 =	vadd.f32 v21, v22  }
0x2ac: {  	v21 =	vld [tilespmem:s7+$0x11FD0];
	v26 =	vmul.f32 v14, v14;
	v28 =	vadd.f32 v15, v28;
	v15 =	vadd.f32 v27, v37  }
0x2ad: {  	v27 =	vimm.f32 $0.0e+00;
	v23 =	vadd.f32 v23, v36;
	v29 =	vadd.f32 v22, v16;
	v16 =	vld [tilespmem:s7+$0x11FE0]  }
0x2ae: {  	[tilespmem:s7+$0x17F90] =	vst v14;
	v30 =	vadd.f32 v14, v27;
	v26 =	vadd.f32 v26, v27;
	v22 =	vld [tilespmem:s7+$0x107F0];
	v31 =	vmul.f32 v28, v28  }
0x2af: {  	[tilespmem:s7+$0x17FA0] =	vst v28;
	v25 =	vadd.f32 v15, v25;
	v15 =	vld [tilespmem:s7+$0x11FF0];
	v14 =	vadd.f32 v29, v24  }
0x2b0: {  	s25 =	simm.s32 $0x0;
	s26 =	smov.u32 s4;
	s3 =	simm.s32 $0x1CC40;
	[tilespmem:s7+$0x17FB0] =	vst v23;
	v27 =	vadd.f32 v28, v30;
	v28 =	vmul.f32 v23, v23;
	v24 =	vld [tilespmem:s7+$0x10800];
	v26 =	vadd.f32 v31, v26  }
.LBB2_14:
0x2b1: {  	v29 =	vld [tilespmem:s3+$0x30];
	[tilespmem:s7+$0x17FC0] =	vst v14;
	v21 =	vadd.f32 v25, v21;
	v17 =	vadd.f32 v18, v17  }
0x2b2: {  	v25 =	vmul.f32 v14, v14;
	s24 =	sadd.s32 $0x80, s24;
	v18 =	vadd.f32 v23, v27;
	v23 =	vadd.f32 v28, v26;
	v26 =	vld [tilespmem:s7+$0x12000]  }
0x2b3: {  	v27 =	vld [tilespmem:s24+$0x30];
	[tilespmem:s7+$0x17FD0] =	vst v21;
	v16 =	vadd.f32 v17, v16;
	v17 =	vadd.f32 v20, v22  }
0x2b4: {  	v20 =	vmul.f32 v21, v21;
	v28 =	vld [tilespmem:s3+$0x20];
	v14 =	vadd.f32 v14, v18;
	v18 =	vadd.f32 v25, v23  }
0x2b5: {  	v30 =	vld [tilespmem:s24+$0x20];
	[tilespmem:s7+$0x17FE0] =	vst v16;
	v15 =	vadd.f32 v17, v15;
	v17 =	vadd.f32 v19, v24  }
0x2b6: {  	v19 =	vmul.f32 v16, v16;
	v31 =	vld [tilespmem:s3+$0x10];
	v14 =	vadd.f32 v21, v14;
	v18 =	vadd.f32 v20, v18  }
0x2b7: {  	v32 =	vld [tilespmem:s24+$0x10];
	[tilespmem:s7+$0x17FF0] =	vst v15;
	v17 =	vadd.f32 v17, v26  }
0x2b8: {  	v33 =	vld [tilespmem:s3+$0x0];
	v14 =	vadd.f32 v16, v14;
	v16 =	vadd.f32 v19, v18;
	v18 =	vmul.f32 v15, v15  }
0x2b9: {  	v34 =	vld [tilespmem:s24+$0x0];
	[tilespmem:s7+$0x18000] =	vst v17  }
0x2ba: {  	v35 =	vld [tilespmem:s3+$0xFFFFFFF0];
	v14 =	vadd.f32 v15, v14;
	v15 =	vadd.f32 v18, v16;
	v16 =	vmul.f32 v17, v17  }
0x2bb: {  	v36 =	vld [tilespmem:s24+$0xFFFFFFF0]  }
0x2bc: {  	v37 =	vld [tilespmem:s3+$0xFFFFFFE0];
	v14 =	vadd.f32 v17, v14;
	v15 =	vadd.f32 v16, v15  }
0x2bd: {  	v38 =	vld [tilespmem:s24+$0xFFFFFFE0]  }
0x2be: {  	v39 =	vld [tilespmem:s3+$0xFFFFFFD0]  }
0x2bf: {  	v40 =	vld [tilespmem:s24+$0xFFFFFFD0]  }
0x2c0: {  	s26 =	sadd.s32 $0x1000, s26;
	v41 =	vld [tilespmem:s3+$0xFFFFFFC0]  }
0x2c1: {  	s7 =	sshra.s32 s26, $0x2;
	v42 =	vld [tilespmem:s24+$0xFFFFFFC0]  }
0x2c2: {  	v19 =	vld [tilespmem:s7+$0xC000]  }
0x2c3: {  	v20 =	vld [tilespmem:s7+$0xBFF0]  }
0x2c4: {  	v24 =	vld [tilespmem:s7+$0xA800]  }
0x2c5: {  	v18 =	vld [tilespmem:s7+$0xBFE0]  }
0x2c6: {  	v23 =	vld [tilespmem:s7+$0xA7F0]  }
0x2c7: {  	v43 =	vld [tilespmem:s7+$0x6000]  }
0x2c8: {  	v16 =	vld [tilespmem:s7+$0x11FB0]  }
0x2c9: {  	v17 =	vld [tilespmem:s7+$0xBFD0]  }
0x2ca: {  	v25 =	vld [tilespmem:s7+$0xA7E0]  }
0x2cb: {  	v44 =	vld [tilespmem:s7+$0x5FF0]  }
0x2cc: {  	v45 =	vld [tilespmem:s7+$0x4800]  }
0x2cd: {  	v21 =	vld [tilespmem:s7+$0x107B0]  }
0x2ce: {  	v26 =	vld [tilespmem:s7+$0xA7D0]  }
0x2cf: {  	v46 =	vld [tilespmem:s7+$0x5FE0]  }
0x2d0: {  	v47 =	vld [tilespmem:s7+$0x47F0]  }
0x2d1: {  	v48 =	vld [tilespmem:s7+$0x0]  }
0x2d2: {  	v22 =	vld [tilespmem:s7+$0x11F90]  }
0x2d3: {  	v49 =	vld [tilespmem:s7+$0xA7C0]  }
0x2d4: {  	v50 =	vld [tilespmem:s7+$0x5FD0]  }
0x2d5: {  	v51 =	vld [tilespmem:s7+$0x47E0]  }
0x2d6: {  	v52 =	vld [tilespmem:s7+$0x15000]  }
0x2d7: {  	v53 =	vld [tilespmem:s7+$0x14FF0]  }
0x2d8: {  	v54 =	vld [tilespmem:s7+$0x14FE0]  }
0x2d9: {  	v55 =	vld [tilespmem:s7+$0x14FD0]  }
0x2da: {  	v56 =	vld [tilespmem:s7+$0x14FC0]  }
0x2db: {  	v57 =	vld [tilespmem:s7+$0x14FB0]  }
0x2dc: {  	v58 =	vld [tilespmem:s7+$0x14FA0]  }
0x2dd: {  	v59 =	vld [tilespmem:s7+$0x14F90]  }
0x2de: {  	v27 =	vmul.f32 v13, v27;
	v30 =	vmul.f32 v13, v30;
	v29 =	vadd.f32 v29, v52;
	v60 =	vld [tilespmem:s7+$0xFFFFFFF0]  }
0x2df: {  	v32 =	vmul.f32 v13, v32;
	v28 =	vadd.f32 v28, v53;
	v31 =	vadd.f32 v31, v54;
	v52 =	vld [tilespmem:s7+$0x47D0]  }
0x2e0: {  	v34 =	vmul.f32 v13, v34;
	v33 =	vadd.f32 v33, v55;
	v35 =	vadd.f32 v35, v56;
	v53 =	vld [tilespmem:s7+$0xFFFFFFE0]  }
0x2e1: {  	v36 =	vmul.f32 v13, v36;
	v37 =	vadd.f32 v37, v57;
	v39 =	vadd.f32 v39, v58;
	v54 =	vld [tilespmem:s7+$0xFFFFFFD0]  }
0x2e2: {  	v38 =	vmul.f32 v13, v38;
	v27 =	vadd.f32 v27, v29;
	v41 =	vadd.f32 v41, v59;
	v55 =	vld [tilespmem:s7+$0xFFFFFFC0]  }
0x2e3: {  	v29 =	vmul.f32 v13, v40;
	v28 =	vadd.f32 v30, v28;
	v31 =	vadd.f32 v32, v31;
	v40 =	vld [tilespmem:s7+$0xFFFFFFB0]  }
0x2e4: {  	s25 =	sadd.s32 $0x8, s25;
	v30 =	vmul.f32 v13, v42;
	v33 =	vadd.f32 v34, v33;
	v35 =	vadd.f32 v36, v35;
	v32 =	vld [tilespmem:s7+$0xFFFFFFA0]  }
0x2e5: {  	p0 =	slt.u32 s25, $0x28;
	v36 =	vadd.f32 v38, v37;
	v29 =	vadd.f32 v29, v39;
	v34 =	vld [tilespmem:s7+$0xFFFFFF90]  }
0x2e6: {  	v27 =	vadd.f32 v27, v48;
	v30 =	vadd.f32 v30, v41;
	v37 =	vld [tilespmem:s7+$0x47C0]  }
0x2e7: {  	v28 =	vadd.f32 v28, v60;
	v31 =	vadd.f32 v31, v53;
	v38 =	vld [tilespmem:s7+$0x47B0]  }
0x2e8: {  	v33 =	vadd.f32 v33, v54;
	v35 =	vadd.f32 v35, v55;
	v39 =	vld [tilespmem:s7+$0x47A0]  }
0x2e9: {  	v41 =	vld [tilespmem:s7+$0x4790];
	v29 =	vadd.f32 v29, v32;
	v32 =	vadd.f32 v36, v40  }
0x2ea: {  	v27 =	vadd.f32 v27, v45;
	v30 =	vadd.f32 v30, v34;
	v34 =	vld [tilespmem:s7+$0x5FC0]  }
0x2eb: {  	v28 =	vadd.f32 v28, v47;
	v31 =	vadd.f32 v31, v51;
	v36 =	vld [tilespmem:s7+$0x5FB0]  }
0x2ec: {  	v33 =	vadd.f32 v33, v52;
	v35 =	vadd.f32 v35, v37;
	v40 =	vld [tilespmem:s7+$0x5FA0]  }
0x2ed: {  	v32 =	vadd.f32 v32, v38;
	v37 =	vld [tilespmem:s7+$0x5F90];
	v29 =	vadd.f32 v29, v39  }
0x2ee: {  	v27 =	vadd.f32 v27, v43;
	v30 =	vadd.f32 v30, v41;
	v38 =	vld [tilespmem:s7+$0xA7B0]  }
0x2ef: {  	v28 =	vadd.f32 v28, v44;
	v31 =	vadd.f32 v31, v46;
	v39 =	vld [tilespmem:s7+$0xA790]  }
0x2f0: {  	v33 =	vadd.f32 v33, v50;
	v34 =	vadd.f32 v35, v34;
	v41 =	vld [tilespmem:s7+$0xBF90]  }
0x2f1: {  	v32 =	vadd.f32 v32, v36;
	v29 =	vadd.f32 v29, v40;
	v35 =	vld [tilespmem:s7+$0xA7A0]  }
0x2f2: {  	v24 =	vadd.f32 v27, v24;
	v30 =	vadd.f32 v30, v37;
	v36 =	vld [tilespmem:s7+$0x10790]  }
0x2f3: {  	v23 =	vadd.f32 v28, v23;
	v25 =	vadd.f32 v31, v25;
	v27 =	vld [tilespmem:s7+$0xBFA0]  }
0x2f4: {  	v26 =	vadd.f32 v33, v26;
	v28 =	vadd.f32 v30, v39;
	v30 =	vld [tilespmem:s7+$0xBFB0]  }
0x2f5: {  	v33 =	vadd.f32 v34, v49;
	v32 =	vadd.f32 v32, v38;
	v31 =	vld [tilespmem:s7+$0x107A0]  }
0x2f6: {  	v28 =	vadd.f32 v28, v41;
	v29 =	vadd.f32 v29, v35;
	v34 =	vld [tilespmem:s7+$0xBFC0]  }
0x2f7: {  	v19 =	vadd.f32 v24, v19;
	v20 =	vadd.f32 v23, v20;
	v35 =	vld [tilespmem:s7+$0x11FA0]  }
0x2f8: {  	v23 =	vadd.f32 v28, v36;
	v24 =	vadd.f32 v29, v27;
	v27 =	vld [tilespmem:s7+$0x107C0]  }
0x2f9: {  	v18 =	vadd.f32 v25, v18;
	v28 =	vadd.f32 v32, v30;
	v29 =	vld [tilespmem:s7+$0x11FC0]  }
0x2fa: {  	v22 =	vadd.f32 v23, v22;
	v23 =	vadd.f32 v24, v31;
	v24 =	vld [tilespmem:s7+$0x107D0]  }
0x2fb: {  	v25 =	vadd.f32 v28, v21;
	v28 =	vadd.f32 v33, v34;
	v21 =	vld [tilespmem:s7+$0x11FD0]  }
.Ltmp5:
0x2fc: {  	v26 =	vadd.f32 v26, v17;
	[tilespmem:s7+$0x17F90] =	vst v22;
	v30 =	vmul.f32 v22, v22;
	v31 =	vadd.f32 v23, v35;
	v17 =	vld [tilespmem:s7+$0x107E0];
	(pc) =	sbr.rel @p0 .LBB2_14-.Ltmp5, $4  }
0x2fd: {  	v23 =	vadd.f32 v25, v16;
	v25 =	vadd.f32 v28, v27;
	v16 =	vld [tilespmem:s7+$0x11FE0]  }
0x2fe: {  	v27 =	vadd.f32 v22, v14;
	v28 =	vadd.f32 v30, v15;
	[tilespmem:s7+$0x17FA0] =	vst v31;
	v30 =	vmul.f32 v31, v31;
	v22 =	vld [tilespmem:s7+$0x107F0]  }
0x2ff: {  	[tilespmem:s7+$0x17FB0] =	vst v23;
	v14 =	vadd.f32 v25, v29;
	v25 =	vadd.f32 v26, v24;
	v15 =	vld [tilespmem:s7+$0x11FF0]  }
0x300: {  	s3 =	sadd.s32 $0x100, s3;
	v27 =	vadd.f32 v31, v27;
	v26 =	vadd.f32 v30, v28;
	v28 =	vmul.f32 v23, v23;
	v24 =	vld [tilespmem:s7+$0x10800]  }
0x301: {  	_ = 	snop  }
0x302: {  	v13 =	vadd.f32 v23, v27  }
0x303: {  	v21 =	vadd.f32 v25, v21;
	v17 =	vadd.f32 v18, v17  }
0x304: {  	v25 =	vld [tilespmem:s7+$0x12000];
	v18 =	vadd.f32 v28, v26;
	v23 =	vmul.f32 v14, v14;
	v13 =	vadd.f32 v14, v13  }
0x305: {  	v16 =	vadd.f32 v17, v16;
	v17 =	vadd.f32 v20, v22  }
0x306: {  	v20 =	vmul.f32 v21, v21;
	v18 =	vadd.f32 v23, v18;
	v13 =	vadd.f32 v21, v13  }
0x307: {  	v15 =	vadd.f32 v17, v15;
	v17 =	vadd.f32 v19, v24  }
0x308: {  	v19 =	vmul.f32 v16, v16;
	v18 =	vadd.f32 v20, v18;
	v13 =	vadd.f32 v16, v13  }
0x309: {  	v17 =	vadd.f32 v17, v25  }
0x30a: {  	v18 =	vadd.f32 v19, v18;
	v19 =	vmul.f32 v15, v15;
	v13 =	vadd.f32 v15, v13;
	_ =	sdelay $0x1  }
0x30b: {  	v18 =	vadd.f32 v19, v18;
	v19 =	vmul.f32 v17, v17;
	v13 =	vadd.f32 v17, v13;
	_ =	sdelay $0x1  }
0x30c: {  	v18 =	vadd.f32 v19, v18;
	(xrf2) =	vadd.scan.msk.f32 $0xffff, v13;
	_ =	sdelay $0x1  }
0x30d: {  	(xrf2) =	vadd.scan.msk.f32 $0xffff, v18;
	_ =	sdelay $0x7  }
0x30e: {  	v13, _, _ =	vpop (xrf2)  }
0x30f: {  	v13 =	vmul.f32 $1.302083370e-03, v13  }
0x310: {  	v18, _, _ =	vpop (xrf2)  }
0x311: {  	v18 =	vmul.f32 $1.302083370e-03, v18;
	v19 =	vmul.f32 v13, v13;
	_ =	sdelay $0x1  }
0x312: {  	v18 =	vsub.f32 v18, v19;
	_ =	sdelay $0x1  }
0x313: {  	v18 =	vadd.f32 $9.999999740e-06, v18;
	_ =	sdelay $0x1  }
0x314: {  	v18 =	vbroadcast v18, $0xF;
	_ =	sdelay $0x1  }
0x315: {  	v19 =	vshra.s32 v18, $0x1;
	v18 =	vmul.f32 $5.000000000e-01, v18  }
0x316: {  	v19 =	vsub.s32 $0x5F3759DF, v19  }
0x317: {  	v20 =	vmul.f32 v19, v18;
	_ =	sdelay $0x1  }
0x318: {  	v20 =	vmul.f32 v19, v20;
	_ =	sdelay $0x1  }
0x319: {  	v20 =	vsub.f32 $1.500000000e+00, v20;
	_ =	sdelay $0x1  }
0x31a: {  	v19 =	vmul.f32 v19, v20  }
0x31b: {  	[tilespmem:s7+$0x17FC0] =	vst v14  }
0x31c: {  	[tilespmem:s7+$0x17FD0] =	vst v21;
	v14 =	vmul.f32 v19, v18  }
0x31d: {  	[tilespmem:s7+$0x17FE0] =	vst v16  }
0x31e: {  	[tilespmem:s7+$0x17FF0] =	vst v15;
	v14 =	vmul.f32 v14, v19  }
0x31f: {  	[tilespmem:s7+$0x18000] =	vst v17  }
0x320: {  	v15 =	vld [tilespmem:s6+$0x30];
	v14 =	vsub.f32 $1.500000000e+00, v14  }
0x321: {  	v16 =	vld [tilespmem:s6+$0xFFFFFFD0]  }
0x322: {  	s7 =	simm.s32 $0x1D740;
	v21 =	vld [tilespmem:s6+$0x0];
	v14 =	vmul.f32 v14, v19  }
0x323: {  	v22 =	vld [tilespmem:s7+$0x30]  }
0x324: {  	v23 =	vld [tilespmem:s6+$0x10];
	v18 =	vmul.f32 v14, v18  }
0x325: {  	v25 =	vld [tilespmem:s6+$0x20]  }
0x326: {  	s3 =	simm.s32 $0x1D440;
	v26 =	vld [tilespmem:s6+$0xFFFFFFC0];
	v18 =	vmul.f32 v18, v14  }
0x327: {  	v27 =	vld [tilespmem:s3+$0xFFFFFFE0]  }
0x328: {  	v63 =	vld [tilespmem:s3+$0xFFFFFFF0];
	v24 =	vsub.f32 $0.0e+00, v13;
	v18 =	vsub.f32 $1.500000000e+00, v18  }
0x329: {  	v29 =	vld [tilespmem:s3+$0x0]  }
0x32a: {  	v17 =	vld [tilespmem:s6+$0xFFFFFFE0];
	v13 =	vmul.f32 v18, v14;
	v14 =	vbroadcast v24, $0xF  }
0x32b: {  	v20 =	vld [tilespmem:s3+$0x30]  }
0x32c: {  	v19 =	vld [tilespmem:s6+$0xFFFFFFF0];
	v14 =	vmul.f32 v13, v14;
	v15 =	vmul.f32 v15, v13  }
0x32d: {  	v30 =	vld [tilespmem:s3+$0x10]  }
0x32e: {  	v18 =	vld [tilespmem:s3+$0xFFFFFFC0];
	v15 =	vadd.f32 v15, v14  }
0x32f: {  	v24 =	vld [tilespmem:s3+$0xFFFFFFD0];
	v16 =	vmul.f32 v16, v13;
	v17 =	vmul.f32 v17, v13  }
0x330: {  	v31 =	vld [tilespmem:s3+$0x20];
	v15 =	vmul.f32 v15, v20;
	v20 =	vmul.f32 v26, v13  }
0x331: {  	v19 =	vmul.f32 v19, v13;
	v21 =	vmul.f32 v21, v13;
	v16 =	vadd.f32 v16, v14;
	v26 =	vld [tilespmem:s7+$0xFFFFFFC0]  }
0x332: {  	v33 =	vld [tilespmem:s7+$0xFFFFFFD0];
	v32 =	vadd.f32 v15, v22;
	v15 =	vmul.f32 v23, v13;
	v23 =	vadd.f32 v20, v14  }
0x333: {  	v17 =	vadd.f32 v17, v14;
	v19 =	vadd.f32 v19, v14;
	v22 =	vmul.f32 v25, v13;
	v20 =	vld [tilespmem:s7+$0xFFFFFFE0]  }
0x334: {  	v24 =	vmul.f32 v16, v24;
	v16 =	vadd.f32 v21, v14;
	v21 =	vld [tilespmem:s7+$0xFFFFFFF0];
	v25 =	vmul.f32 v23, v18  }
0x335: {  	v17 =	vmul.f32 v17, v27;
	v15 =	vadd.f32 v15, v14;
	v27 =	vadd.f32 v22, v14;
	v22 =	vld [tilespmem:s7+$0x0]  }
0x336: {  	v19 =	vmul.f32 v19, v63;
	v18 =	vmul.f32 v16, v29;
	v23 =	vld [tilespmem:s7+$0x10];
	v26 =	vadd.f32 v25, v26  }
0x337: {  	s25 =	simm.s32 $0x0;
	s26 =	sadd.s32 $0x400, s6;
	s24 =	smov.u32 s6;
	[tilespmem:s6+$0x30] =	vst v32;
	v15 =	vmul.f32 v15, v30;
	v16 =	vmul.f32 v27, v31;
	v25 =	vadd.f32 v24, v33;
	v24 =	vld [tilespmem:s7+$0x20]  }
.LBB2_16:
0x338: {  	v27 =	vld [tilespmem:s26+$0x30];
	s25 =	sadd.s32 $0x8, s25;
	[tilespmem:s24+$0xFFFFFFC0] =	vst v26;
	v17 =	vadd.f32 v17, v20  }
0x339: {  	v20 =	vld [tilespmem:s26+$0xFFFFFFD0];
	p0 =	slt.u32 s25, $0x28;
	[tilespmem:s24+$0xFFFFFFD0] =	vst v25;
	v19 =	vadd.f32 v19, v21  }
0x33a: {  	v21 =	vld [tilespmem:s26+$0xFFFFFFE0];
	[tilespmem:s24+$0xFFFFFFE0] =	vst v17;
	v17 =	vadd.f32 v18, v22  }
0x33b: {  	s3 =	sadd.s32 $0x80, s3;
	v18 =	vld [tilespmem:s26+$0xFFFFFFF0];
	[tilespmem:s24+$0xFFFFFFF0] =	vst v19;
	v15 =	vadd.f32 v15, v23  }
0x33c: {  	v19 =	vld [tilespmem:s3+$0x30];
	[tilespmem:s24+$0x0] =	vst v17;
	v16 =	vadd.f32 v16, v24  }
0x33d: {  	s7 =	sadd.s32 $0x80, s7;
	v17 =	vld [tilespmem:s26+$0x0];
	v22 =	vmul.f32 v27, v13;
	[tilespmem:s24+$0x10] =	vst v15  }
0x33e: {  	v15 =	vmul.f32 v20, v13;
	v20 =	vld [tilespmem:s7+$0x30];
	[tilespmem:s24+$0x20] =	vst v16;
	s24 =	smov.u32 s26  }
0x33f: {  	v16 =	vmul.f32 v21, v13;
	v21 =	vld [tilespmem:s26+$0x10];
	v22 =	vadd.f32 v22, v14  }
0x340: {  	v15 =	vadd.f32 v15, v14;
	v18 =	vmul.f32 v18, v13;
	v23 =	vld [tilespmem:s26+$0x20]  }
0x341: {  	v24 =	vld [tilespmem:s26+$0xFFFFFFC0];
	v16 =	vadd.f32 v16, v14;
	v19 =	vmul.f32 v22, v19  }
0x342: {  	v22 =	vld [tilespmem:s3+$0xFFFFFFC0];
	v18 =	vadd.f32 v18, v14;
	v17 =	vmul.f32 v17, v13  }
0x343: {  	v25 =	vld [tilespmem:s3+$0xFFFFFFD0];
	v19 =	vadd.f32 v19, v20  }
0x344: {  	v20 =	vld [tilespmem:s3+$0xFFFFFFE0];
	v26 =	vadd.f32 v17, v14;
	v17 =	vmul.f32 v21, v13  }
0x345: {  	v21 =	vld [tilespmem:s3+$0xFFFFFFF0];
	v23 =	vmul.f32 v23, v13;
	[tilespmem:s26+$0x30] =	vst v19  }
0x346: {  	v19 =	vmul.f32 v24, v13;
	v24 =	vld [tilespmem:s3+$0x0];
	v27 =	vadd.f32 v17, v14  }
0x347: {  	v28 =	vld [tilespmem:s3+$0x10];
	v23 =	vadd.f32 v23, v14  }
0x348: {  	v19 =	vadd.f32 v19, v14;
	v25 =	vmul.f32 v15, v25;
	v29 =	vld [tilespmem:s3+$0x20]  }
0x349: {  	v30 =	vld [tilespmem:s7+$0xFFFFFFC0];
	v17 =	vmul.f32 v16, v20  }
0x34a: {  	v31 =	vmul.f32 v19, v22;
	v32 =	vld [tilespmem:s7+$0xFFFFFFD0];
	v19 =	vmul.f32 v18, v21  }
.Ltmp6:
0x34b: {  	v20 =	vld [tilespmem:s7+$0xFFFFFFE0];
	v18 =	vmul.f32 v26, v24;
	(pc) =	sbr.rel @p0 .LBB2_16-.Ltmp6, $4  }
0x34c: {  	v21 =	vld [tilespmem:s7+$0xFFFFFFF0];
	v15 =	vmul.f32 v27, v28  }
0x34d: {  	v22 =	vld [tilespmem:s7+$0x0];
	v16 =	vmul.f32 v23, v29  }
0x34e: {  	v26 =	vadd.f32 v31, v30;
	v23 =	vld [tilespmem:s7+$0x10]  }
0x34f: {  	s26 =	sadd.s32 $0x400, s26;
	v25 =	vadd.f32 v25, v32;
	v24 =	vld [tilespmem:s7+$0x20]  }
0x350: {  	[tilespmem:s24+$0xFFFFFFC0] =	vst v26;
	v13 =	vadd.f32 v17, v20;
	s9 =	sadd.s32 $0x1, s9  }
0x351: {  	[tilespmem:s24+$0xFFFFFFD0] =	vst v25;
	v14 =	vadd.f32 v19, v21;
	p0 =	sne.s32 s9, $0x8  }
.Ltmp7:
0x352: {  	[tilespmem:s24+$0xFFFFFFE0] =	vst v13;
	v13 =	vadd.f32 v18, v22;
	(pc) =	sbr.rel @p0 .LBB2_13-.Ltmp7, $4  }
0x353: {  	[tilespmem:s24+$0xFFFFFFF0] =	vst v14;
	v14 =	vadd.f32 v15, v23  }
0x354: {  	[tilespmem:s24+$0x0] =	vst v13;
	v13 =	vadd.f32 v16, v24  }
0x355: {  	[tilespmem:s24+$0x10] =	vst v14  }
0x356: {  	s4 =	sadd.s32 $0x200, s4;
	s6 =	sadd.s32 $0x80, s6;
	[tilespmem:s24+$0x20] =	vst v13  }
0x357: {  	s14 =	sadd.s32 $0x1, s14  }
0x358: {  	s3 =	sor.u32 s12, s15;
	p0 =	sne.s32 s14, $0x40  }
.Ltmp8:
0x359: {  	s3 =	sshrl.u32 s3, $0x3;
	(pc) =	sbr.rel @p0 .LBB2_4-.Ltmp8, $3  }
0x35a: {  	s3 =	smul.u32 $0x300, s3;
	_ =	sdelay $0x1  }
0x35b: {  	s4 =	simm.s32 $0x19800;
	s3 =	sadd.s32 s8, s3  }
0x35c: {  	[hbm4b:s3+s10] =	stream.linear.scatter [tilespmem:s4], [sflag:$0x4], $0x1800, $0x38;
	[tilespmem:$0x1DA00] =	vst v63  }
0x35d: {  	s3 =	simm.s32 $0x3  }
0x35e: {  	_ =	swait.ge [sflag:s3], $0x1800  }
0x35f: {  	[sflag:s3] =	ssyncset.done $0x0  }
0x360: {  	s4 =	simm.s32 $0x4;
	[sflag:s3] =	ssyncadd.s32 $0xFFFFE800  }
0x361: {  	_ =	swait.ge [sflag:s4], $0x1800  }
0x362: {  	s6 =	rddreg [dreg:$0xe]  }
0x363: {  	s30 =	rddreg [dreg:$0xd];
	s6 =	sadd.s32 $0x1, s6  }
0x364: {  	p0 =	sne.s32 s6, s30  }
.Ltmp9:
0x365: {  	_ = 	snop;
	(pc) =	sbr.rel @p0 .LBB2_1-.Ltmp9, $3  }
0x366: {  	_ =	sdelay $0x1  }
0x367: {  	[sflag:s4] =	ssyncset.done $0x0  }
0x368: {  	[sflag:s4] =	ssyncadd.s32 $0xFFFFE800  }
0x369: {  	_ =	sfence.sel $0x180000  }
0x36a: {  	[bflag:$0x0] =	sbarrier.arrive $0xFFFF  }
0x36b: {  	_ =	strace $0x90000047  }
0x36c: {  	s0 =	stileid.u32;
	[bflag:$0x2] =	sbarrier.arrive $0xFFFF  }
0x36d: {  	p0 =	sne.s32 s0, $0x0;
	s0 =	rddreg [dreg:$0x9]  }
0x36e: {  	s0 =	sadd.s32 @!p0 $0x100000, s0  }
0x36f: {  	[sflag:s0] =	ssyncadd.tile.s32 @!p0 $0x1;
	_ =	shalt  }
.Lfunc_end2:
_tile_overlayer_lowered:
.L_overlay_start_2:
0x370: {  	(tag) =	ssettag $0x2  }
0x371: {  	s0 =	rddreg [dreg:$0x0];
	s2 =	stileid.u32  }
0x372: {  	s1 =	rddreg [dreg:$0x1];
	p0 =	sne.s32 s2, $0x0  }
0x373: {  	s3 =	rddreg [dreg:$0x2];
	[bflag:$0x3] =	sbarrier.arrive $0xFFFF;
	s2 =	simm.s32 @!p0 $0x1C05  }
0x374: {  	[timem:s3], [sflag:s2] =	dma.local @!p0 [hbm:s0], s1  }
0x375: {  	s0 =	simm.s32 @!p0 $0x5  }
0x376: {  	_ =	swait.ge @!p0 [sflag:s0], s1  }
0x377: {  	s1 =	ssub.s32 @!p0 $0x0, s1;
	[sflag:s0] =	ssyncset.done @!p0 $0x0  }
0x378: {  	[sflag:s0] =	ssyncadd.s32 @!p0 s1  }
0x379: {  	[bflag:$0x3] =	sbarrier.arrive $0xFFFF  }
0x37a: {  	_ =	shalt  }

</sc_bundles>
